<compile_context>
chip_gen: v7x
topology: tpu7x:2x2x1
jax: 0.10.2.dev20260603
libtpu: 0.0.44.dev20260713+nightly
codegen_flags: <defaults>
</compile_context>

<pallas_src>
import functools

import jax
import jax.numpy as jnp
from jax.experimental import pallas as pl
from jax.experimental.pallas import tpu as pltpu
from jax.experimental.pallas import tpu_sc as plsc

N_E = 8192
E_DIM = 256
BETA = 0.25
N_ROWS = 8192
GATHER_WINDOW = 128


def _sc_gather(W, idx_row):
    mesh = plsc.VectorSubcoreMesh(core_axis_name="core",
                                  subcore_axis_name="subcore")

    @functools.partial(
        pl.kernel,
        out_type=jax.ShapeDtypeStruct((N_ROWS, E_DIM), jnp.float32),
        mesh=mesh)
    def gather_kernel(w_hbm, i_hbm, o_hbm):
        def body(i_vmem, o_vmem):
            pltpu.sync_copy(w_hbm.at[i_vmem.at[0]], o_vmem)

        pltpu.emit_pipeline(
            body,
            grid=(N_ROWS // GATHER_WINDOW,),
            in_specs=[pl.BlockSpec((1, GATHER_WINDOW), lambda i: (0, i))],
            out_specs=[pl.BlockSpec((GATHER_WINDOW, E_DIM),
                                    lambda i: (i, 0))],
            core_axis_name=("core", "subcore"),
            dimension_semantics=(pltpu.PARALLEL,),
        )(i_hbm, o_hbm)

    return gather_kernel(W, idx_row)


def _onehot_body(idx_ref, out_ref):
    jb = pl.program_id(1)
    codes = jax.lax.broadcasted_iota(jnp.int32, out_ref.shape, 1) + jb * 1024
    out_ref[...] = (codes == idx_ref[...]).astype(jnp.float32)


def _finalize_body(dmin_ref, counts_ref, loss_ref, perp_ref):
    n = jnp.float32(N_ROWS * E_DIM)
    losssum = jnp.sum(dmin_ref[...].astype(jnp.float32))
    m = losssum / n
    loss_ref[...] = jnp.full((1, 1), m + jnp.float32(BETA) * m, jnp.float32)
    e_mean = counts_ref[...] * jnp.float32(1.0 / N_ROWS)
    ent = jnp.sum(e_mean * jnp.log(e_mean + 1e-10))
    perp_ref[...] = jnp.full((1, 1), jnp.exp(-ent), jnp.float32)


def kernel(z, W):
    zf = jnp.reshape(z, (-1, E_DIM))

    d = (
        jnp.sum(zf ** 2, axis=1, keepdims=True)
        + jnp.sum(W ** 2, axis=1)
        - 2.0 * jnp.matmul(zf, W.T)
    )
    min_encoding_indices = jnp.argmin(d, axis=1)[:, None]
    idx = min_encoding_indices[:, 0]
    dmin = jnp.min(d, axis=1).astype(jnp.bfloat16)
    counts = jnp.zeros((N_E,), jnp.float32).at[idx].add(1.0)

    mi_b, idx_b, dmin_b = jax.lax.optimization_barrier(
        (min_encoding_indices, idx, dmin))

    z_q = _sc_gather(W, jnp.reshape(idx_b.astype(jnp.int32), (1, N_ROWS)))

    z_q_st = jnp.reshape(z_q, z.shape)

    bm, bn = 512, 1024
    min_encodings = pl.pallas_call(
        _onehot_body,
        grid=(N_ROWS // bm, N_E // bn),
        in_specs=[pl.BlockSpec((bm, 1), lambda i, j: (i, 0))],
        out_specs=pl.BlockSpec((bm, bn), lambda i, j: (i, j)),
        out_shape=jax.ShapeDtypeStruct((N_ROWS, N_E), jnp.float32),
    )(jnp.reshape(idx_b.astype(jnp.int32), (N_ROWS, 1)))

    loss2d, perp2d = pl.pallas_call(
        _finalize_body,
        grid=(1,),
        in_specs=[
            pl.BlockSpec((8, N_E // 8), lambda i: (0, 0)),
            pl.BlockSpec((8, N_E // 8), lambda i: (0, 0)),
        ],
        out_specs=[
            pl.BlockSpec((1, 1), lambda i: (0, 0)),
            pl.BlockSpec((1, 1), lambda i: (0, 0)),
        ],
        out_shape=[
            jax.ShapeDtypeStruct((1, 1), jnp.float32),
            jax.ShapeDtypeStruct((1, 1), jnp.float32),
        ],
    )(jnp.reshape(dmin_b, (8, N_E // 8)),
      jnp.reshape(counts, (8, N_E // 8)))

    loss = loss2d[0, 0]
    perplexity = perp2d[0, 0]
    return (loss, z_q_st, perplexity, min_encodings, min_encoding_indices)

# --- scband reference (transcript-rebuilt; emitter-appended) ---
"""Pipeline reference for scband-vector-quantizer-68444598829402 (READ-ONLY COPY).

The authoritative reference and input builder live on the scoring server;
editing this copy changes nothing except your own understanding.
"""

import jax, jax.numpy as jnp
import numpy as np

N_E = 8192
E_DIM = 256
BETA = 0.25


def setup_inputs(seed: int = 0) -> dict:
    key = jax.random.key(seed)
    k1, k2 = jax.random.split(key)
    z = jax.random.normal(k1, (8, 256, 32, 32), dtype=jnp.float32)
    W = jax.random.uniform(k2, (N_E, E_DIM), dtype=jnp.float32, minval=-1.0 / N_E, maxval=1.0 / N_E)
    return {"z": z, "W": W}


def reference(z, W):
    # flatten input to (B*H*W*C/e_dim, e_dim) exactly like torch .view(-1, e_dim)
    z_flattened = jnp.reshape(z, (-1, E_DIM))
    d = (
        jnp.sum(z_flattened ** 2, axis=1, keepdims=True)
        + jnp.sum(W ** 2, axis=1)
        - 2.0 * jnp.matmul(z_flattened, W.T)
    )
    min_encoding_indices = jnp.argmin(d, axis=1)[:, None]
    # one-hot via scatter-overwrite semantics
    min_encodings = jnp.zeros((min_encoding_indices.shape[0], N_E), dtype=jnp.float32)
    min_encodings = min_encodings.at[jnp.arange(min_encoding_indices.shape[0]), min_encoding_indices[:, 0]].set(1.0)
    z_q = jnp.matmul(min_encodings, W).reshape(z.shape)
    loss = jnp.mean((jax.lax.stop_gradient(z_q) - z) ** 2) + BETA * jnp.mean((z_q - jax.lax.stop_gradient(z)) ** 2)
    z_q_st = z + jax.lax.stop_gradient(z_q - z)
    e_mean = jnp.mean(min_encodings, axis=0)
    perplexity = jnp.exp(-jnp.sum(e_mean * jnp.log(e_mean + 1e-10)))
    return (loss, z_q_st, perplexity, min_encodings, min_encoding_indices)

if __name__ == "__main__":
    import jax
    _d = setup_inputs()
    print(jax.jit(kernel)(*tuple(_d.values())))

</pallas_src>

<mosaic_0001>
#map = affine_map<(d0, d1) -> (0, 0)>
module attributes {stable_mosaic.version = 14 : i64} {
  func.func @gather_kernel(%arg0: i32, %arg1: i32, %arg2: memref<8192x256xf32, #tpu.memory_space<hbm>>, %arg3: memref<1x8192xi32, #tpu.memory_space<hbm>>, %arg4: memref<8192x256xf32, #tpu.memory_space<hbm>>) attributes {dimension_semantics = [#tpu.dimension_semantics<core_parallel>, #tpu.dimension_semantics<subcore_parallel>], iteration_bounds = array<i64: 2, 16>, scalar_prefetch = 0 : i64, scratch_operands = 0 : i64, tpu.core_type = #tpu.core_type<sc_vector_subcore>, window_params = [{transform_indices = #map}, {transform_indices = #map}, {transform_indices = #map}]} {
    %mul3A = arith.constant 1 : i32
    %mul3A_0 = arith.muli %arg1, %mul3A : i32
    %add3A = arith.constant 0 : i32
    %add3A_1 = arith.addi %add3A, %mul3A_0 : i32
    %mul3A_2 = arith.constant 16 : i32
    %mul3A_3 = arith.muli %arg0, %mul3A_2 : i32
    %add3A_4 = arith.addi %add3A_1, %mul3A_3 : i32
    %mul3A_5 = arith.constant 2 : i32
    %mul3A_6 = arith.muli %add3A_4, %mul3A_5 : i32
    "tpu.region"() ({
      %run_scoped3A = memref.alloca() : memref<2x1x128xi32, #tpu.memory_space<vmem>>
      %run_scoped3A_7 = tpu.sem_alloc : memref<2x!tpu.dma_semaphore, #tpu.memory_space<semaphore_mem>>
      %run_scoped3A_8 = memref.alloca() : memref<2x128x256xf32, #tpu.memory_space<vmem>>
      %run_scoped3A_9 = tpu.sem_alloc : memref<2x!tpu.dma_semaphore, #tpu.memory_space<semaphore_mem>>
      %add3A_10 = arith.constant 0 : i32
      %add3A_11 = arith.addi %add3A_10, %mul3A_6 : i32
      %select_n3A = arith.constant true
      %select_n3A_12 = arith.constant 0 : i32
      %select_n3A_13 = arith.constant -1 : i32
      %select_n3A_14 = arith.select %select_n3A, %select_n3A_13, %select_n3A_12 : i32
      %eq3A = arith.constant -1 : i32
      %eq3A_15 = arith.cmpi eq, %select_n3A_14, %eq3A : i32
      %select_n3A_16 = arith.constant 1 : i32
      %select_n3A_17 = arith.select %eq3A_15, %select_n3A_16, %select_n3A_14 : i32
      %add3A_18 = arith.addi %select_n3A_17, %mul3A_6 : i32
      %select_n3A_19 = arith.constant true
      %select_n3A_20 = arith.constant 0 : i32
      %select_n3A_21 = arith.constant 1 : i32
      %select_n3A_22 = arith.select %select_n3A_19, %select_n3A_21, %select_n3A_20 : i32
      %eq3A_23 = arith.constant 2 : i32
      %eq3A_24 = arith.cmpi eq, %select_n3A_22, %eq3A_23 : i32
      %select_n3A_25 = arith.constant 0 : i32
      %select_n3A_26 = arith.select %eq3A_24, %select_n3A_25, %select_n3A_22 : i32
      %add3A_27 = arith.addi %select_n3A_26, %mul3A_6 : i32
      %add3A_28 = arith.constant 1 : i32
      %add3A_29 = arith.addi %select_n3A_26, %add3A_28 : i32
      %select_n3A_30 = arith.constant true
      %select_n3A_31 = arith.select %select_n3A_30, %add3A_29, %select_n3A_26 : i32
      %eq3A_32 = arith.constant 2 : i32
      %eq3A_33 = arith.cmpi eq, %select_n3A_31, %eq3A_32 : i32
      %select_n3A_34 = arith.constant 0 : i32
      %select_n3A_35 = arith.select %eq3A_33, %select_n3A_34, %select_n3A_31 : i32
      %add3A_36 = arith.addi %select_n3A_35, %mul3A_6 : i32
      "tpu.trace_start"() <{level = 10 : i32, message = "ep_initialize_0"}> : () -> ()
      %rem3A = arith.constant 0 : i32
      %rem3A_37 = arith.constant 2 : i32
      %rem3A_38 = arith.remui %rem3A, %rem3A_37 : i32
      %mul3A_39 = arith.constant 128 : i32
      %mul3A_40 = arith.muli %mul3A_39, %add3A_11 : i32
      %dma_start3A = arith.constant 0 : i32
      %dma_start3A_41 = arith.constant 0 : i32
      %dma_start3A_42 = tpu.memref_slice %run_scoped3A[%rem3A_38, %dma_start3A, %dma_start3A_41] : memref<2x1x128xi32, #tpu.memory_space<vmem>> -> memref<1x1x128xi32, #tpu.memory_space<vmem>>
      %dma_start3A_43 = tpu.memref_squeeze %dma_start3A_42 : memref<1x1x128xi32, #tpu.memory_space<vmem>> -> memref<1x128xi32, #tpu.memory_space<vmem>>
      %dma_start3A_44 = arith.constant 0 : i32
      %dma_start3A_45 = tpu.memref_slice %arg3[%dma_start3A_44, %mul3A_40] : memref<1x8192xi32, #tpu.memory_space<hbm>> -> memref<1x128xi32, #tpu.memory_space<hbm>>
      %dma_start3A_46 = tpu.memref_slice %run_scoped3A_7[%rem3A_38] : memref<2x!tpu.dma_semaphore, #tpu.memory_space<semaphore_mem>> -> memref<1x!tpu.dma_semaphore, #tpu.memory_space<semaphore_mem>>
      %dma_start3A_47 = tpu.memref_squeeze %dma_start3A_46 : memref<1x!tpu.dma_semaphore, #tpu.memory_space<semaphore_mem>> -> memref<!tpu.dma_semaphore, #tpu.memory_space<semaphore_mem>>
      %dma_start3A_48 = arith.constant 0 : i32
      %dma_start3A_49 = arith.constant 0 : i32
      %dma_start3A_50 = tpu.memref_slice %run_scoped3A[%rem3A_38, %dma_start3A_48, %dma_start3A_49] : memref<2x1x128xi32, #tpu.memory_space<vmem>> -> memref<1x1x128xi32, #tpu.memory_space<vmem>>
      %dma_start3A_51 = tpu.memref_squeeze %dma_start3A_50 : memref<1x1x128xi32, #tpu.memory_space<vmem>> -> memref<1x128xi32, #tpu.memory_space<vmem>>
      %dma_start3A_52 = arith.constant 0 : i32
      %dma_start3A_53 = tpu.memref_slice %arg3[%dma_start3A_52, %mul3A_40] : memref<1x8192xi32, #tpu.memory_space<hbm>> -> memref<1x128xi32, #tpu.memory_space<hbm>>
      tpu.enqueue_dma source(%dma_start3A_53 : memref<1x128xi32, #tpu.memory_space<hbm>>) target(%dma_start3A_51 : memref<1x128xi32, #tpu.memory_space<vmem>>) target_semaphore(%dma_start3A_47 : memref<!tpu.dma_semaphore, #tpu.memory_space<semaphore_mem>>)
      %add3A_54 = arith.constant 0 : i32
      %add3A_55 = arith.constant 1 : i32
      %add3A_56 = arith.addi %add3A_54, %add3A_55 : i32
      %select_n3A_57 = arith.constant true
      %select_n3A_58 = arith.constant 0 : i32
      %select_n3A_59 = arith.select %select_n3A_57, %add3A_56, %select_n3A_58 : i32
      "tpu.trace_stop"() : () -> ()
      %scan3A = arith.constant 0 : i32
      %scan3A_60 = arith.constant 0 : i32
      %scan3A_61 = arith.constant 0 : i32
      %scan3A_62 = arith.constant 0 : i32
      %scan3A_63 = arith.constant 0 : i32
      %scan3A_64 = arith.constant 2 : i32
      %scan3A_65 = arith.addi %scan3A_63, %scan3A_64 : i32
      %scan3A_66 = arith.constant 1 : i32
      %scan3A_67:5 = scf.for %scan3A_121 = %scan3A_63 to %scan3A_65 step %scan3A_66 iter_args(%scan3A_122 = %select_n3A_59, %scan3A_123 = %scan3A, %scan3A_124 = %scan3A_60, %scan3A_125 = %scan3A_61, %scan3A_126 = %scan3A_62) -> (i32, i32, i32, i32, i32)  : i32 {
        %eq3A_127 = arith.constant 0 : i32
        %eq3A_128 = arith.cmpi eq, %scan3A_121, %eq3A_127 : i32
        %eq3A_129 = arith.constant 1 : i32
        %eq3A_130 = arith.cmpi eq, %scan3A_121, %eq3A_129 : i32
        %add3A_131 = arith.addi %scan3A_126, %mul3A_6 : i32
        %sub3A_132 = arith.constant 1 : i32
        %sub3A_133 = arith.subi %scan3A_126, %sub3A_132 : i32
        %select_n3A_134 = arith.constant true
        %select_n3A_135 = arith.select %select_n3A_134, %sub3A_133, %scan3A_126 : i32
        %eq3A_136 = arith.constant -1 : i32
        %eq3A_137 = arith.cmpi eq, %select_n3A_135, %eq3A_136 : i32
        %select_n3A_138 = arith.constant 1 : i32
        %select_n3A_139 = arith.select %eq3A_137, %select_n3A_138, %select_n3A_135 : i32
        %add3A_140 = arith.addi %select_n3A_139, %mul3A_6 : i32
        %add3A_141 = arith.constant 1 : i32
        %add3A_142 = arith.addi %scan3A_126, %add3A_141 : i32
        %select_n3A_143 = arith.constant true
        %select_n3A_144 = arith.select %select_n3A_143, %add3A_142, %scan3A_126 : i32
        %eq3A_145 = arith.constant 2 : i32
        %eq3A_146 = arith.cmpi eq, %select_n3A_144, %eq3A_145 : i32
        %select_n3A_147 = arith.constant 0 : i32
        %select_n3A_148 = arith.select %eq3A_146, %select_n3A_147, %select_n3A_144 : i32
        %add3A_149 = arith.addi %select_n3A_148, %mul3A_6 : i32
        %add3A_150 = arith.constant 1 : i32
        %add3A_151 = arith.addi %select_n3A_148, %add3A_150 : i32
        %select_n3A_152 = arith.constant true
        %select_n3A_153 = arith.select %select_n3A_152, %add3A_151, %select_n3A_148 : i32
        %eq3A_154 = arith.constant 2 : i32
        %eq3A_155 = arith.cmpi eq, %select_n3A_153, %eq3A_154 : i32
        %select_n3A_156 = arith.constant 0 : i32
        %select_n3A_157 = arith.select %eq3A_155, %select_n3A_156, %select_n3A_153 : i32
        %add3A_158 = arith.addi %select_n3A_157, %mul3A_6 : i32
        %ne3A = arith.cmpi ne, %add3A_131, %add3A_149 : i32
        %or3A = arith.constant false
        %or3A_159 = arith.ori %or3A, %ne3A : i1
        %ge3A = arith.constant 1 : i32
        %ge3A_160 = arith.cmpi sge, %scan3A_121, %ge3A : i32
        %not3A = arith.constant true
        %not3A_161 = arith.xori %ge3A_160, %not3A : i1
        %and3A = arith.andi %or3A_159, %not3A_161 : i1
        %convert_element_type3A = arith.extui %and3A : i1 to i32
        %cond3A = arith.constant 0 : i32
        %cond3A_162 = arith.cmpi ne, %convert_element_type3A, %cond3A : i32
        scf.if %cond3A_162 {
          "tpu.trace_start"() <{level = 10 : i32, message = "ep_copy_in"}> : () -> ()
          %rem3A_264 = arith.constant 2 : i32
          %rem3A_265 = arith.remui %scan3A_122, %rem3A_264 : i32
          %mul3A_266 = arith.constant 128 : i32
          %mul3A_267 = arith.muli %mul3A_266, %add3A_149 : i32
          %dma_start3A_268 = arith.constant 0 : i32
          %dma_start3A_269 = arith.constant 0 : i32
          %dma_start3A_270 = tpu.memref_slice %run_scoped3A[%rem3A_265, %dma_start3A_268, %dma_start3A_269] : memref<2x1x128xi32, #tpu.memory_space<vmem>> -> memref<1x1x128xi32, #tpu.memory_space<vmem>>
          %dma_start3A_271 = tpu.memref_squeeze %dma_start3A_270 : memref<1x1x128xi32, #tpu.memory_space<vmem>> -> memref<1x128xi32, #tpu.memory_space<vmem>>
          %dma_start3A_272 = arith.constant 0 : i32
          %dma_start3A_273 = tpu.memref_slice %arg3[%dma_start3A_272, %mul3A_267] : memref<1x8192xi32, #tpu.memory_space<hbm>> -> memref<1x128xi32, #tpu.memory_space<hbm>>
          %dma_start3A_274 = tpu.memref_slice %run_scoped3A_7[%rem3A_265] : memref<2x!tpu.dma_semaphore, #tpu.memory_space<semaphore_mem>> -> memref<1x!tpu.dma_semaphore, #tpu.memory_space<semaphore_mem>>
          %dma_start3A_275 = tpu.memref_squeeze %dma_start3A_274 : memref<1x!tpu.dma_semaphore, #tpu.memory_space<semaphore_mem>> -> memref<!tpu.dma_semaphore, #tpu.memory_space<semaphore_mem>>
          %dma_start3A_276 = arith.constant 0 : i32
          %dma_start3A_277 = arith.constant 0 : i32
          %dma_start3A_278 = tpu.memref_slice %run_scoped3A[%rem3A_265, %dma_start3A_276, %dma_start3A_277] : memref<2x1x128xi32, #tpu.memory_space<vmem>> -> memref<1x1x128xi32, #tpu.memory_space<vmem>>
          %dma_start3A_279 = tpu.memref_squeeze %dma_start3A_278 : memref<1x1x128xi32, #tpu.memory_space<vmem>> -> memref<1x128xi32, #tpu.memory_space<vmem>>
          %dma_start3A_280 = arith.constant 0 : i32
          %dma_start3A_281 = tpu.memref_slice %arg3[%dma_start3A_280, %mul3A_267] : memref<1x8192xi32, #tpu.memory_space<hbm>> -> memref<1x128xi32, #tpu.memory_space<hbm>>
          tpu.enqueue_dma source(%dma_start3A_281 : memref<1x128xi32, #tpu.memory_space<hbm>>) target(%dma_start3A_279 : memref<1x128xi32, #tpu.memory_space<vmem>>) target_semaphore(%dma_start3A_275 : memref<!tpu.dma_semaphore, #tpu.memory_space<semaphore_mem>>)
          "tpu.trace_stop"() : () -> ()
        } else {
        }
        %and3A_163 = arith.constant true
        %and3A_164 = arith.andi %and3A, %and3A_163 : i1
        %add3A_165 = arith.constant 1 : i32
        %add3A_166 = arith.addi %scan3A_122, %add3A_165 : i32
        %select_n3A_167 = arith.select %and3A_164, %add3A_166, %scan3A_122 : i32
        %ne3A_168 = arith.cmpi ne, %add3A_131, %add3A_149 : i32
        %or3A_169 = arith.constant false
        %or3A_170 = arith.ori %or3A_169, %ne3A_168 : i1
        %or3A_171 = arith.constant false
        %or3A_172 = arith.ori %or3A_170, %or3A_171 : i1
        %ge3A_173 = arith.constant 1 : i32
        %ge3A_174 = arith.cmpi sge, %scan3A_121, %ge3A_173 : i32
        %not3A_175 = arith.constant true
        %not3A_176 = arith.xori %ge3A_174, %not3A_175 : i1
        %and3A_177 = arith.andi %or3A_172, %not3A_176 : i1
        %ne3A_178 = arith.cmpi ne, %add3A_131, %add3A_140 : i32
        %or3A_179 = arith.constant false
        %or3A_180 = arith.ori %or3A_179, %ne3A_178 : i1
        %or3A_181 = arith.ori %or3A_180, %eq3A_128 : i1
        %convert_element_type3A_182 = arith.extui %or3A_181 : i1 to i32
        %cond3A_183 = arith.constant 0 : i32
        %cond3A_184 = arith.cmpi ne, %convert_element_type3A_182, %cond3A_183 : i32
        scf.if %cond3A_184 {
          "tpu.trace_start"() <{level = 10 : i32, message = "ep_wait_in"}> : () -> ()
          %mul3A_264 = arith.constant 128 : i32
          %mul3A_265 = arith.muli %mul3A_264, %add3A_131 : i32
          %rem3A_266 = arith.constant 2 : i32
          %rem3A_267 = arith.remui %scan3A_123, %rem3A_266 : i32
          %dma_wait3A_268 = arith.constant 0 : i32
          %dma_wait3A_269 = arith.constant 0 : i32
          %dma_wait3A_270 = tpu.memref_slice %run_scoped3A[%rem3A_267, %dma_wait3A_268, %dma_wait3A_269] : memref<2x1x128xi32, #tpu.memory_space<vmem>> -> memref<1x1x128xi32, #tpu.memory_space<vmem>>
          %dma_wait3A_271 = tpu.memref_squeeze %dma_wait3A_270 : memref<1x1x128xi32, #tpu.memory_space<vmem>> -> memref<1x128xi32, #tpu.memory_space<vmem>>
          %dma_wait3A_272 = arith.constant 0 : i32
          %dma_wait3A_273 = tpu.memref_slice %arg3[%dma_wait3A_272, %mul3A_265] : memref<1x8192xi32, #tpu.memory_space<hbm>> -> memref<1x128xi32, #tpu.memory_space<hbm>>
          %dma_wait3A_274 = tpu.memref_slice %run_scoped3A_7[%rem3A_267] : memref<2x!tpu.dma_semaphore, #tpu.memory_space<semaphore_mem>> -> memref<1x!tpu.dma_semaphore, #tpu.memory_space<semaphore_mem>>
          %dma_wait3A_275 = tpu.memref_squeeze %dma_wait3A_274 : memref<1x!tpu.dma_semaphore, #tpu.memory_space<semaphore_mem>> -> memref<!tpu.dma_semaphore, #tpu.memory_space<semaphore_mem>>
          %dma_wait3A_276 = arith.constant 0 : i32
          %dma_wait3A_277 = arith.constant 0 : i32
          %dma_wait3A_278 = tpu.memref_slice %run_scoped3A[%rem3A_267, %dma_wait3A_276, %dma_wait3A_277] : memref<2x1x128xi32, #tpu.memory_space<vmem>> -> memref<1x1x128xi32, #tpu.memory_space<vmem>>
          %dma_wait3A_279 = tpu.memref_squeeze %dma_wait3A_278 : memref<1x1x128xi32, #tpu.memory_space<vmem>> -> memref<1x128xi32, #tpu.memory_space<vmem>>
          %dma_wait3A_280 = arith.constant 0 : i32
          %dma_wait3A_281 = tpu.memref_slice %arg3[%dma_wait3A_280, %mul3A_265] : memref<1x8192xi32, #tpu.memory_space<hbm>> -> memref<1x128xi32, #tpu.memory_space<hbm>>
          tpu.wait_dma2 semaphore(%dma_wait3A_275 : memref<!tpu.dma_semaphore, #tpu.memory_space<semaphore_mem>>) src(%dma_wait3A_281 : memref<1x128xi32, #tpu.memory_space<hbm>>) dst(%dma_wait3A_279 : memref<1x128xi32, #tpu.memory_space<vmem>>)
          "tpu.trace_stop"() : () -> ()
        } else {
        }
        %ne3A_185 = arith.cmpi ne, %add3A_131, %add3A_140 : i32
        %or3A_186 = arith.constant false
        %or3A_187 = arith.ori %or3A_186, %ne3A_185 : i1
        %or3A_188 = arith.constant false
        %or3A_189 = arith.ori %or3A_187, %or3A_188 : i1
        %or3A_190 = arith.ori %or3A_189, %eq3A_128 : i1
        %convert_element_type3A_191 = arith.extui %or3A_190 : i1 to i32
        %cond3A_192 = arith.constant 0 : i32
        %cond3A_193 = arith.cmpi ne, %convert_element_type3A_191, %cond3A_192 : i32
        scf.if %cond3A_193 {
        } else {
        }
        %rem3A_194 = arith.constant 2 : i32
        %rem3A_195 = arith.remui %scan3A_123, %rem3A_194 : i32
        %rem3A_196 = arith.constant 2 : i32
        %rem3A_197 = arith.remui %scan3A_124, %rem3A_196 : i32
        %run_scoped3A_198 = arith.constant 0 : i32
        "tpu.trace_start"() <{level = 10 : i32, message = "ep_run_kernel"}> : () -> ()
        "tpu.region"() ({
          %run_scoped3A_264 = tpu.sem_alloc : memref<!tpu.dma_semaphore, #tpu.memory_space<semaphore_mem>>
          %dma_start3A_265 = arith.constant 0 : i32
          %dma_start3A_266 = arith.constant 0 : i32
          %dma_start3A_267 = tpu.memref_slice %run_scoped3A_8[%rem3A_197, %dma_start3A_265, %dma_start3A_266] : memref<2x128x256xf32, #tpu.memory_space<vmem>> -> memref<1x128x256xf32, #tpu.memory_space<vmem>>
          %dma_start3A_268 = tpu.memref_squeeze %dma_start3A_267 : memref<1x128x256xf32, #tpu.memory_space<vmem>> -> memref<128x256xf32, #tpu.memory_space<vmem>>
          %dma_start3A_269 = arith.constant 0 : i32
          %dma_start3A_270 = arith.constant 0 : i32
          %dma_start3A_271 = tpu.memref_slice %run_scoped3A[%rem3A_195, %dma_start3A_269, %dma_start3A_270] : memref<2x1x128xi32, #tpu.memory_space<vmem>> -> memref<1x1x128xi32, #tpu.memory_space<vmem>>
          %dma_start3A_272 = tpu.memref_squeeze %dma_start3A_271 : memref<1x1x128xi32, #tpu.memory_space<vmem>> -> memref<1x128xi32, #tpu.memory_space<vmem>>
          %dma_start3A_273 = arith.constant 0 : i32
          %dma_start3A_274 = tpu.memref_slice %dma_start3A_272[%run_scoped3A_198, %dma_start3A_273] : memref<1x128xi32, #tpu.memory_space<vmem>> -> memref<1x128xi32, #tpu.memory_space<vmem>>
          %dma_start3A_275 = tpu.memref_squeeze %dma_start3A_274 : memref<1x128xi32, #tpu.memory_space<vmem>> -> memref<128xi32, #tpu.memory_space<vmem>>
          %dma_start3A_276 = arith.constant 0 : i32
          %dma_start3A_277 = arith.constant 0 : i32
          %dma_start3A_278 = tpu.memref_slice %arg2[%dma_start3A_276, %dma_start3A_277] : memref<8192x256xf32, #tpu.memory_space<hbm>> -> memref<8192x256xf32, #tpu.memory_space<hbm>>
          tpu.enqueue_indirect_dma source(%dma_start3A_278 : memref<8192x256xf32, #tpu.memory_space<hbm>>) target(%dma_start3A_268 : memref<128x256xf32, #tpu.memory_space<vmem>>) offsets(%dma_start3A_275 : memref<128xi32, #tpu.memory_space<vmem>>) semaphore(%run_scoped3A_264 : memref<!tpu.dma_semaphore, #tpu.memory_space<semaphore_mem>>)
          %dma_wait3A_279 = arith.constant 0 : i32
          %dma_wait3A_280 = arith.constant 0 : i32
          %dma_wait3A_281 = tpu.memref_slice %run_scoped3A_8[%rem3A_197, %dma_wait3A_279, %dma_wait3A_280] : memref<2x128x256xf32, #tpu.memory_space<vmem>> -> memref<1x128x256xf32, #tpu.memory_space<vmem>>
          %dma_wait3A_282 = tpu.memref_squeeze %dma_wait3A_281 : memref<1x128x256xf32, #tpu.memory_space<vmem>> -> memref<128x256xf32, #tpu.memory_space<vmem>>
          %dma_wait3A_283 = arith.constant 0 : i32
          %dma_wait3A_284 = arith.constant 0 : i32
          %dma_wait3A_285 = tpu.memref_slice %run_scoped3A[%rem3A_195, %dma_wait3A_283, %dma_wait3A_284] : memref<2x1x128xi32, #tpu.memory_space<vmem>> -> memref<1x1x128xi32, #tpu.memory_space<vmem>>
          %dma_wait3A_286 = tpu.memref_squeeze %dma_wait3A_285 : memref<1x1x128xi32, #tpu.memory_space<vmem>> -> memref<1x128xi32, #tpu.memory_space<vmem>>
          %dma_wait3A_287 = arith.constant 0 : i32
          %dma_wait3A_288 = tpu.memref_slice %dma_wait3A_286[%run_scoped3A_198, %dma_wait3A_287] : memref<1x128xi32, #tpu.memory_space<vmem>> -> memref<1x128xi32, #tpu.memory_space<vmem>>
          %dma_wait3A_289 = tpu.memref_squeeze %dma_wait3A_288 : memref<1x128xi32, #tpu.memory_space<vmem>> -> memref<128xi32, #tpu.memory_space<vmem>>
          %dma_wait3A_290 = arith.constant 0 : i32
          %dma_wait3A_291 = arith.constant 0 : i32
          %dma_wait3A_292 = tpu.memref_slice %arg2[%dma_wait3A_290, %dma_wait3A_291] : memref<8192x256xf32, #tpu.memory_space<hbm>> -> memref<8192x256xf32, #tpu.memory_space<hbm>>
          tpu.wait_indirect_dma semaphore(%run_scoped3A_264 : memref<!tpu.dma_semaphore, #tpu.memory_space<semaphore_mem>>) src(%dma_wait3A_292 : memref<8192x256xf32, #tpu.memory_space<hbm>>) dst(%dma_wait3A_282 : memref<128x256xf32, #tpu.memory_space<vmem>>)
          tpu.yield
        }) : () -> ()
        "tpu.trace_stop"() : () -> ()
        %ne3A_199 = arith.cmpi ne, %add3A_131, %add3A_149 : i32
        %or3A_200 = arith.constant false
        %or3A_201 = arith.ori %or3A_200, %ne3A_199 : i1
        %or3A_202 = arith.ori %or3A_201, %eq3A_130 : i1
        %convert_element_type3A_203 = arith.extui %or3A_202 : i1 to i32
        %cond3A_204 = arith.constant 0 : i32
        %cond3A_205 = arith.cmpi ne, %convert_element_type3A_203, %cond3A_204 : i32
        scf.if %cond3A_205 {
        } else {
        }
        %and3A_206 = arith.constant false
        %and3A_207 = arith.andi %or3A_202, %and3A_206 : i1
        %ne3A_208 = arith.cmpi ne, %add3A_131, %add3A_149 : i32
        %or3A_209 = arith.constant false
        %or3A_210 = arith.ori %or3A_209, %ne3A_208 : i1
        %or3A_211 = arith.constant false
        %or3A_212 = arith.ori %or3A_210, %or3A_211 : i1
        %or3A_213 = arith.ori %or3A_212, %eq3A_130 : i1
        %convert_element_type3A_214 = arith.extui %or3A_213 : i1 to i32
        %cond3A_215 = arith.constant 0 : i32
        %cond3A_216 = arith.cmpi ne, %convert_element_type3A_214, %cond3A_215 : i32
        scf.if %cond3A_216 {
          "tpu.trace_start"() <{level = 10 : i32, message = "ep_copy_out"}> : () -> ()
          %rem3A_264 = arith.constant 2 : i32
          %rem3A_265 = arith.remui %scan3A_124, %rem3A_264 : i32
          %mul3A_266 = arith.constant 128 : i32
          %mul3A_267 = arith.muli %mul3A_266, %add3A_131 : i32
          %dma_start3A_268 = arith.constant 0 : i32
          %dma_start3A_269 = arith.constant 0 : i32
          %dma_start3A_270 = tpu.memref_slice %run_scoped3A_8[%rem3A_265, %dma_start3A_268, %dma_start3A_269] : memref<2x128x256xf32, #tpu.memory_space<vmem>> -> memref<1x128x256xf32, #tpu.memory_space<vmem>>
          %dma_start3A_271 = tpu.memref_squeeze %dma_start3A_270 : memref<1x128x256xf32, #tpu.memory_space<vmem>> -> memref<128x256xf32, #tpu.memory_space<vmem>>
          %dma_start3A_272 = arith.constant 0 : i32
          %dma_start3A_273 = tpu.memref_slice %arg4[%mul3A_267, %dma_start3A_272] : memref<8192x256xf32, #tpu.memory_space<hbm>> -> memref<128x256xf32, #tpu.memory_space<hbm>>
          %dma_start3A_274 = tpu.memref_slice %run_scoped3A_9[%rem3A_265] : memref<2x!tpu.dma_semaphore, #tpu.memory_space<semaphore_mem>> -> memref<1x!tpu.dma_semaphore, #tpu.memory_space<semaphore_mem>>
          %dma_start3A_275 = tpu.memref_squeeze %dma_start3A_274 : memref<1x!tpu.dma_semaphore, #tpu.memory_space<semaphore_mem>> -> memref<!tpu.dma_semaphore, #tpu.memory_space<semaphore_mem>>
          %dma_start3A_276 = arith.constant 0 : i32
          %dma_start3A_277 = tpu.memref_slice %arg4[%mul3A_267, %dma_start3A_276] : memref<8192x256xf32, #tpu.memory_space<hbm>> -> memref<128x256xf32, #tpu.memory_space<hbm>>
          %dma_start3A_278 = arith.constant 0 : i32
          %dma_start3A_279 = arith.constant 0 : i32
          %dma_start3A_280 = tpu.memref_slice %run_scoped3A_8[%rem3A_265, %dma_start3A_278, %dma_start3A_279] : memref<2x128x256xf32, #tpu.memory_space<vmem>> -> memref<1x128x256xf32, #tpu.memory_space<vmem>>
          %dma_start3A_281 = tpu.memref_squeeze %dma_start3A_280 : memref<1x128x256xf32, #tpu.memory_space<vmem>> -> memref<128x256xf32, #tpu.memory_space<vmem>>
          tpu.enqueue_dma source(%dma_start3A_281 : memref<128x256xf32, #tpu.memory_space<vmem>>) target(%dma_start3A_277 : memref<128x256xf32, #tpu.memory_space<hbm>>) target_semaphore(%dma_start3A_275 : memref<!tpu.dma_semaphore, #tpu.memory_space<semaphore_mem>>)
          "tpu.trace_stop"() : () -> ()
        } else {
        }
        %and3A_217 = arith.constant true
        %and3A_218 = arith.andi %or3A_213, %and3A_217 : i1
        %add3A_219 = arith.constant 1 : i32
        %add3A_220 = arith.addi %scan3A_124, %add3A_219 : i32
        %select_n3A_221 = arith.select %and3A_218, %add3A_220, %scan3A_124 : i32
        %ne3A_222 = arith.cmpi ne, %add3A_131, %add3A_140 : i32
        %or3A_223 = arith.constant false
        %or3A_224 = arith.ori %or3A_223, %ne3A_222 : i1
        %not3A_225 = arith.constant true
        %not3A_226 = arith.xori %eq3A_128, %not3A_225 : i1
        %and3A_227 = arith.andi %or3A_224, %not3A_226 : i1
        %convert_element_type3A_228 = arith.extui %and3A_227 : i1 to i32
        %cond3A_229 = arith.constant 0 : i32
        %cond3A_230 = arith.cmpi ne, %convert_element_type3A_228, %cond3A_229 : i32
        scf.if %cond3A_230 {
        } else {
        }
        %and3A_231 = arith.constant false
        %and3A_232 = arith.andi %and3A_227, %and3A_231 : i1
        %ne3A_233 = arith.cmpi ne, %add3A_131, %add3A_140 : i32
        %or3A_234 = arith.constant false
        %or3A_235 = arith.ori %or3A_234, %ne3A_233 : i1
        %or3A_236 = arith.constant false
        %or3A_237 = arith.ori %or3A_235, %or3A_236 : i1
        %not3A_238 = arith.constant true
        %not3A_239 = arith.xori %eq3A_128, %not3A_238 : i1
        %and3A_240 = arith.andi %or3A_237, %not3A_239 : i1
        %convert_element_type3A_241 = arith.extui %and3A_240 : i1 to i32
        %cond3A_242 = arith.constant 0 : i32
        %cond3A_243 = arith.cmpi ne, %convert_element_type3A_241, %cond3A_242 : i32
        scf.if %cond3A_243 {
          "tpu.trace_start"() <{level = 10 : i32, message = "ep_wait_out"}> : () -> ()
          %rem3A_264 = arith.constant 2 : i32
          %rem3A_265 = arith.remui %scan3A_125, %rem3A_264 : i32
          %mul3A_266 = arith.constant 128 : i32
          %mul3A_267 = arith.muli %mul3A_266, %add3A_140 : i32
          %dma_wait3A_268 = arith.constant 0 : i32
          %dma_wait3A_269 = arith.constant 0 : i32
          %dma_wait3A_270 = tpu.memref_slice %run_scoped3A_8[%rem3A_265, %dma_wait3A_268, %dma_wait3A_269] : memref<2x128x256xf32, #tpu.memory_space<vmem>> -> memref<1x128x256xf32, #tpu.memory_space<vmem>>
          %dma_wait3A_271 = tpu.memref_squeeze %dma_wait3A_270 : memref<1x128x256xf32, #tpu.memory_space<vmem>> -> memref<128x256xf32, #tpu.memory_space<vmem>>
          %dma_wait3A_272 = arith.constant 0 : i32
          %dma_wait3A_273 = tpu.memref_slice %arg4[%mul3A_267, %dma_wait3A_272] : memref<8192x256xf32, #tpu.memory_space<hbm>> -> memref<128x256xf32, #tpu.memory_space<hbm>>
          %dma_wait3A_274 = tpu.memref_slice %run_scoped3A_9[%rem3A_265] : memref<2x!tpu.dma_semaphore, #tpu.memory_space<semaphore_mem>> -> memref<1x!tpu.dma_semaphore, #tpu.memory_space<semaphore_mem>>
          %dma_wait3A_275 = tpu.memref_squeeze %dma_wait3A_274 : memref<1x!tpu.dma_semaphore, #tpu.memory_space<semaphore_mem>> -> memref<!tpu.dma_semaphore, #tpu.memory_space<semaphore_mem>>
          %dma_wait3A_276 = arith.constant 0 : i32
          %dma_wait3A_277 = tpu.memref_slice %arg4[%mul3A_267, %dma_wait3A_276] : memref<8192x256xf32, #tpu.memory_space<hbm>> -> memref<128x256xf32, #tpu.memory_space<hbm>>
          %dma_wait3A_278 = arith.constant 0 : i32
          %dma_wait3A_279 = arith.constant 0 : i32
          %dma_wait3A_280 = tpu.memref_slice %run_scoped3A_8[%rem3A_265, %dma_wait3A_278, %dma_wait3A_279] : memref<2x128x256xf32, #tpu.memory_space<vmem>> -> memref<1x128x256xf32, #tpu.memory_space<vmem>>
          %dma_wait3A_281 = tpu.memref_squeeze %dma_wait3A_280 : memref<1x128x256xf32, #tpu.memory_space<vmem>> -> memref<128x256xf32, #tpu.memory_space<vmem>>
          tpu.wait_dma2 semaphore(%dma_wait3A_275 : memref<!tpu.dma_semaphore, #tpu.memory_space<semaphore_mem>>) src(%dma_wait3A_281 : memref<128x256xf32, #tpu.memory_space<vmem>>) dst(%dma_wait3A_277 : memref<128x256xf32, #tpu.memory_space<hbm>>)
          "tpu.trace_stop"() : () -> ()
        } else {
        }
        %and3A_244 = arith.constant true
        %and3A_245 = arith.andi %and3A_240, %and3A_244 : i1
        %add3A_246 = arith.constant 1 : i32
        %add3A_247 = arith.addi %scan3A_125, %add3A_246 : i32
        %select_n3A_248 = arith.select %and3A_245, %add3A_247, %scan3A_125 : i32
        %ne3A_249 = arith.cmpi ne, %add3A_131, %add3A_149 : i32
        %or3A_250 = arith.constant false
        %or3A_251 = arith.ori %or3A_250, %ne3A_249 : i1
        %or3A_252 = arith.ori %or3A_251, %eq3A_130 : i1
        %add3A_253 = arith.constant 1 : i32
        %add3A_254 = arith.addi %scan3A_123, %add3A_253 : i32
        %select_n3A_255 = arith.select %or3A_252, %add3A_254, %scan3A_123 : i32
        %add3A_256 = arith.constant 1 : i32
        %add3A_257 = arith.addi %scan3A_126, %add3A_256 : i32
        %select_n3A_258 = arith.constant true
        %select_n3A_259 = arith.select %select_n3A_258, %add3A_257, %scan3A_126 : i32
        %eq3A_260 = arith.constant 2 : i32
        %eq3A_261 = arith.cmpi eq, %select_n3A_259, %eq3A_260 : i32
        %select_n3A_262 = arith.constant 0 : i32
        %select_n3A_263 = arith.select %eq3A_261, %select_n3A_262, %select_n3A_259 : i32
        scf.yield %select_n3A_167, %select_n3A_255, %select_n3A_221, %select_n3A_248, %select_n3A_263 : i32, i32, i32, i32, i32
      }
      %scan3A_68 = arith.constant 2 : i32
      %sub3A = arith.constant 1 : i32
      %sub3A_69 = arith.subi %scan3A_67#4, %sub3A : i32
      %select_n3A_70 = arith.constant true
      %select_n3A_71 = arith.select %select_n3A_70, %sub3A_69, %scan3A_67#4 : i32
      %eq3A_72 = arith.constant -1 : i32
      %eq3A_73 = arith.cmpi eq, %select_n3A_71, %eq3A_72 : i32
      %select_n3A_74 = arith.constant 1 : i32
      %select_n3A_75 = arith.select %eq3A_73, %select_n3A_74, %select_n3A_71 : i32
      %add3A_76 = arith.addi %select_n3A_75, %mul3A_6 : i32
      %sub3A_77 = arith.constant 1 : i32
      %sub3A_78 = arith.subi %select_n3A_75, %sub3A_77 : i32
      %select_n3A_79 = arith.constant true
      %select_n3A_80 = arith.select %select_n3A_79, %sub3A_78, %select_n3A_75 : i32
      %eq3A_81 = arith.constant -1 : i32
      %eq3A_82 = arith.cmpi eq, %select_n3A_80, %eq3A_81 : i32
      %select_n3A_83 = arith.constant 1 : i32
      %select_n3A_84 = arith.select %eq3A_82, %select_n3A_83, %select_n3A_80 : i32
      %add3A_85 = arith.addi %select_n3A_84, %mul3A_6 : i32
      %add3A_86 = arith.constant 1 : i32
      %add3A_87 = arith.addi %select_n3A_75, %add3A_86 : i32
      %select_n3A_88 = arith.constant true
      %select_n3A_89 = arith.select %select_n3A_88, %add3A_87, %select_n3A_75 : i32
      %eq3A_90 = arith.constant 2 : i32
      %eq3A_91 = arith.cmpi eq, %select_n3A_89, %eq3A_90 : i32
      %select_n3A_92 = arith.constant 0 : i32
      %select_n3A_93 = arith.select %eq3A_91, %select_n3A_92, %select_n3A_89 : i32
      %add3A_94 = arith.addi %select_n3A_93, %mul3A_6 : i32
      %add3A_95 = arith.constant 1 : i32
      %add3A_96 = arith.addi %select_n3A_93, %add3A_95 : i32
      %select_n3A_97 = arith.constant true
      %select_n3A_98 = arith.select %select_n3A_97, %add3A_96, %select_n3A_93 : i32
      %eq3A_99 = arith.constant 2 : i32
      %eq3A_100 = arith.cmpi eq, %select_n3A_98, %eq3A_99 : i32
      %select_n3A_101 = arith.constant 0 : i32
      %select_n3A_102 = arith.select %eq3A_100, %select_n3A_101, %select_n3A_98 : i32
      %add3A_103 = arith.addi %select_n3A_102, %mul3A_6 : i32
      "tpu.trace_start"() <{level = 10 : i32, message = "ep_finalize"}> : () -> ()
      %rem3A_104 = arith.constant 2 : i32
      %rem3A_105 = arith.remui %scan3A_67#3, %rem3A_104 : i32
      %mul3A_106 = arith.constant 128 : i32
      %mul3A_107 = arith.muli %mul3A_106, %add3A_76 : i32
      %dma_wait3A = arith.constant 0 : i32
      %dma_wait3A_108 = arith.constant 0 : i32
      %dma_wait3A_109 = tpu.memref_slice %run_scoped3A_8[%rem3A_105, %dma_wait3A, %dma_wait3A_108] : memref<2x128x256xf32, #tpu.memory_space<vmem>> -> memref<1x128x256xf32, #tpu.memory_space<vmem>>
      %dma_wait3A_110 = tpu.memref_squeeze %dma_wait3A_109 : memref<1x128x256xf32, #tpu.memory_space<vmem>> -> memref<128x256xf32, #tpu.memory_space<vmem>>
      %dma_wait3A_111 = arith.constant 0 : i32
      %dma_wait3A_112 = tpu.memref_slice %arg4[%mul3A_107, %dma_wait3A_111] : memref<8192x256xf32, #tpu.memory_space<hbm>> -> memref<128x256xf32, #tpu.memory_space<hbm>>
      %dma_wait3A_113 = tpu.memref_slice %run_scoped3A_9[%rem3A_105] : memref<2x!tpu.dma_semaphore, #tpu.memory_space<semaphore_mem>> -> memref<1x!tpu.dma_semaphore, #tpu.memory_space<semaphore_mem>>
      %dma_wait3A_114 = tpu.memref_squeeze %dma_wait3A_113 : memref<1x!tpu.dma_semaphore, #tpu.memory_space<semaphore_mem>> -> memref<!tpu.dma_semaphore, #tpu.memory_space<semaphore_mem>>
      %dma_wait3A_115 = arith.constant 0 : i32
      %dma_wait3A_116 = tpu.memref_slice %arg4[%mul3A_107, %dma_wait3A_115] : memref<8192x256xf32, #tpu.memory_space<hbm>> -> memref<128x256xf32, #tpu.memory_space<hbm>>
      %dma_wait3A_117 = arith.constant 0 : i32
      %dma_wait3A_118 = arith.constant 0 : i32
      %dma_wait3A_119 = tpu.memref_slice %run_scoped3A_8[%rem3A_105, %dma_wait3A_117, %dma_wait3A_118] : memref<2x128x256xf32, #tpu.memory_space<vmem>> -> memref<1x128x256xf32, #tpu.memory_space<vmem>>
      %dma_wait3A_120 = tpu.memref_squeeze %dma_wait3A_119 : memref<1x128x256xf32, #tpu.memory_space<vmem>> -> memref<128x256xf32, #tpu.memory_space<vmem>>
      tpu.wait_dma2 semaphore(%dma_wait3A_114 : memref<!tpu.dma_semaphore, #tpu.memory_space<semaphore_mem>>) src(%dma_wait3A_120 : memref<128x256xf32, #tpu.memory_space<vmem>>) dst(%dma_wait3A_116 : memref<128x256xf32, #tpu.memory_space<hbm>>)
      "tpu.trace_stop"() : () -> ()
      tpu.yield
    }) : () -> ()
    return
  }
}

module attributes {stable_mosaic.version = 14 : i64} {
  func.func @_onehot_body(%arg0: i32, %arg1: i32, %arg2: memref<512x1xi32, #tpu.memory_space<vmem>>, %arg3: memref<512x1024xf32, #tpu.memory_space<vmem>>) attributes {dimension_semantics = [#tpu.dimension_semantics<arbitrary>, #tpu.dimension_semantics<arbitrary>], iteration_bounds = array<i64: 16, 8>, scalar_prefetch = 0 : i64, scratch_operands = 0 : i64, tpu.core_type = #tpu.core_type<tc>, window_params = [{transform_indices = @transform_0, window_bounds = array<i64: 512, 1>}, {transform_indices = @transform_1, window_bounds = array<i64: 512, 1024>}]} {
    %iota3A = tpu.iota {dimensions = array<i32: 1>} : vector<512x1024xi32>
    %mul3A = arith.constant 1024 : i32
    %mul3A_0 = arith.muli %arg1, %mul3A : i32
    %add3A = vector.broadcast %mul3A_0 : i32 to vector<512x1024xi32>
    %add3A_1 = arith.addi %iota3A, %add3A : vector<512x1024xi32>
    %get3A = arith.constant 0 : index
    %get3A_2 = arith.constant 0 : index
    %get3A_3 = vector.load %arg2[%get3A, %get3A_2] : memref<512x1xi32, #tpu.memory_space<vmem>>, vector<512x1xi32>
    %eq3A = vector.broadcast %get3A_3 : vector<512x1xi32> to vector<512x1024xi32>
    %eq3A_4 = arith.cmpi eq, %add3A_1, %eq3A : vector<512x1024xi32>
    %convert_element_type3A = arith.extui %eq3A_4 : vector<512x1024xi1> to vector<512x1024xi32>
    %convert_element_type3A_5 = arith.sitofp %convert_element_type3A : vector<512x1024xi32> to vector<512x1024xf32>
    %swap3A = arith.constant 0 : index
    %swap3A_6 = arith.constant 0 : index
    %swap3A_7 = vector.load %arg3[%swap3A, %swap3A_6] : memref<512x1024xf32, #tpu.memory_space<vmem>>, vector<512x1024xf32>
    tpu.vector_store %arg3[%swap3A, %swap3A_6], %convert_element_type3A_5 {strides = array<i32>} : memref<512x1024xf32, #tpu.memory_space<vmem>>, vector<512x1024xf32>,
    return
  }
  func.func @transform_0(%arg0: i32, %arg1: i32) -> (i32, i32) {
    %c0_i32 = arith.constant 0 : i32
    %c0_i32_0 = arith.constant 0 : i32
    return %arg0, %c0_i32 : i32, i32
  }
  func.func @transform_1(%arg0: i32, %arg1: i32) -> (i32, i32) {
    %c0_i32 = arith.constant 0 : i32
    return %arg0, %arg1 : i32, i32
  }
}

module attributes {stable_mosaic.version = 14 : i64} {
  func.func @_finalize_body(%arg0: i32, %arg1: memref<8x1024xbf16, #tpu.memory_space<vmem>>, %arg2: memref<8x1024xf32, #tpu.memory_space<vmem>>, %arg3: memref<1x1xf32, #tpu.memory_space<vmem>>, %arg4: memref<1x1xf32, #tpu.memory_space<vmem>>) attributes {dimension_semantics = [#tpu.dimension_semantics<arbitrary>], iteration_bounds = array<i64: 1>, scalar_prefetch = 0 : i64, scratch_operands = 0 : i64, tpu.core_type = #tpu.core_type<tc>, window_params = [{pipeline_mode = #tpu.pipeline_mode<synchronous>, transform_indices = @transform_0, window_bounds = array<i64: 8, 1024>}, {pipeline_mode = #tpu.pipeline_mode<synchronous>, transform_indices = @transform_1, window_bounds = array<i64: 8, 1024>}, {pipeline_mode = #tpu.pipeline_mode<synchronous>, transform_indices = @transform_2, window_bounds = array<i64: 1, 1>}, {pipeline_mode = #tpu.pipeline_mode<synchronous>, transform_indices = @transform_3, window_bounds = array<i64: 1, 1>}]} {
    %get3A = arith.constant 0 : index
    %get3A_0 = arith.constant 0 : index
    %get3A_1 = vector.load %arg1[%get3A, %get3A_0] : memref<8x1024xbf16, #tpu.memory_space<vmem>>, vector<8x1024xbf16>
    %convert_element_type3A = arith.extf %get3A_1 : vector<8x1024xbf16> to vector<8x1024xf32>
    %reduce_sum3A = vector.shape_cast %convert_element_type3A : vector<8x1024xf32> to vector<1x8x1024xf32>
    %reduce_sum3A_2 = arith.constant dense<0.000000e+00> : vector<1xf32>
    %reduce_sum3A_3 = vector.multi_reduction <add>, %reduce_sum3A, %reduce_sum3A_2 [1, 2] : vector<1x8x1024xf32> to vector<1xf32>
    %reduce_sum3A_4 = vector.shape_cast %reduce_sum3A_3 : vector<1xf32> to vector<1x1x1xf32>
    %reduce_sum3A_5 = vector.extract %reduce_sum3A_4[0, 0, 0] : f32 from vector<1x1x1xf32>
    %div3A = arith.constant 0x4A000000 : f32
    %div3A_6 = arith.divf %reduce_sum3A_5, %div3A : f32
    %mul3A = arith.constant 2.500000e-01 : f32
    %mul3A_7 = arith.mulf %mul3A, %div3A_6 : f32
    %add3A = arith.addf %div3A_6, %mul3A_7 : f32
    %broadcast_in_dim3A = vector.broadcast %add3A : f32 to vector<1x1xf32>
    %swap3A = arith.constant 0 : index
    %swap3A_8 = arith.constant 0 : index
    %swap3A_9 = vector.load %arg3[%swap3A, %swap3A_8] : memref<1x1xf32, #tpu.memory_space<vmem>>, vector<1x1xf32>
    tpu.vector_store %arg3[%swap3A, %swap3A_8], %broadcast_in_dim3A {strides = array<i32>} : memref<1x1xf32, #tpu.memory_space<vmem>>, vector<1x1xf32>,
    %get3A_10 = arith.constant 0 : index
    %get3A_11 = arith.constant 0 : index
    %get3A_12 = vector.load %arg2[%get3A_10, %get3A_11] : memref<8x1024xf32, #tpu.memory_space<vmem>>, vector<8x1024xf32>
    %mul3A_13 = arith.constant 1.22070313E-4 : f32
    %mul3A_14 = vector.broadcast %mul3A_13 : f32 to vector<8x1024xf32>
    %mul3A_15 = arith.mulf %get3A_12, %mul3A_14 : vector<8x1024xf32>
    %add3A_16 = arith.constant 1.000000e-10 : f32
    %add3A_17 = vector.broadcast %add3A_16 : f32 to vector<8x1024xf32>
    %add3A_18 = arith.addf %mul3A_15, %add3A_17 : vector<8x1024xf32>
    %log3A = math.log %add3A_18 : vector<8x1024xf32>
    %mul3A_19 = arith.mulf %mul3A_15, %log3A : vector<8x1024xf32>
    %reduce_sum3A_20 = vector.shape_cast %mul3A_19 : vector<8x1024xf32> to vector<1x8x1024xf32>
    %reduce_sum3A_21 = arith.constant dense<0.000000e+00> : vector<1xf32>
    %reduce_sum3A_22 = vector.multi_reduction <add>, %reduce_sum3A_20, %reduce_sum3A_21 [1, 2] : vector<1x8x1024xf32> to vector<1xf32>
    %reduce_sum3A_23 = vector.shape_cast %reduce_sum3A_22 : vector<1xf32> to vector<1x1x1xf32>
    %reduce_sum3A_24 = vector.extract %reduce_sum3A_23[0, 0, 0] : f32 from vector<1x1x1xf32>
    %neg3A = arith.constant 0.000000e+00 : f32
    %neg3A_25 = arith.subf %neg3A, %reduce_sum3A_24 : f32
    %exp3A = math.exp %neg3A_25 : f32
    %broadcast_in_dim3A_26 = vector.broadcast %exp3A : f32 to vector<1x1xf32>
    %swap3A_27 = arith.constant 0 : index
    %swap3A_28 = arith.constant 0 : index
    %swap3A_29 = vector.load %arg4[%swap3A_27, %swap3A_28] : memref<1x1xf32, #tpu.memory_space<vmem>>, vector<1x1xf32>
    tpu.vector_store %arg4[%swap3A_27, %swap3A_28], %broadcast_in_dim3A_26 {strides = array<i32>} : memref<1x1xf32, #tpu.memory_space<vmem>>, vector<1x1xf32>,
    return
  }
  func.func @transform_0(%arg0: i32) -> (i32, i32) {
    %c0_i32 = arith.constant 0 : i32
    %c0_i32_0 = arith.constant 0 : i32
    %c0_i32_1 = arith.constant 0 : i32
    return %c0_i32, %c0_i32_0 : i32, i32
  }
  func.func @transform_1(%arg0: i32) -> (i32, i32) {
    %c0_i32 = arith.constant 0 : i32
    %c0_i32_0 = arith.constant 0 : i32
    %c0_i32_1 = arith.constant 0 : i32
    return %c0_i32, %c0_i32_0 : i32, i32
  }
  func.func @transform_2(%arg0: i32) -> (i32, i32) {
    %c0_i32 = arith.constant 0 : i32
    %c0_i32_0 = arith.constant 0 : i32
    %c0_i32_1 = arith.constant 0 : i32
    return %c0_i32, %c0_i32_0 : i32, i32
  }
  func.func @transform_3(%arg0: i32) -> (i32, i32) {
    %c0_i32 = arith.constant 0 : i32
    %c0_i32_0 = arith.constant 0 : i32
    %c0_i32_1 = arith.constant 0 : i32
    return %c0_i32, %c0_i32_0 : i32, i32
  }
}

</mosaic_0001>

<sc_bundles>
// kernel: kernel.5.cloned.1.call-start
scs
__scs_entry_jumppad:
0x0: {  	(pc) =	sbr.rel $0x88, $3  }
0x1: {  	(tag) =	ssettag $0x0;
	lr =	simm.s32 $0x1  }
0x2: {  	[smem:$0x3F9F] =	sst lr;
	_ =	strace $0xD0000000  }
0x3: {  	_ = 	snop  }
0x4: {  	_ = 	snop  }
0x5: {  	_ = 	snop  }
0x6: {  	_ = 	snop  }
0x7: {  	_ = 	snop  }
__scs_overlays_trampoline_lowered:
0x8: {  	[smem:$0x3FAE] =	sst s0  }
0x9: {  	[smem:$0x3FAF] =	sst s1  }
0xa: {  	[smem:$0x3FB0] =	sst s2  }
0xb: {  	[smem:$0x3FB1] =	sst s3  }
0xc: {  	[smem:$0x3FB2] =	sst s4  }
0xd: {  	[smem:$0x3FB3] =	sst s5  }
0xe: {  	[smem:$0x3FB4] =	sst s6  }
0xf: {  	[smem:$0x3FB5] =	sst s7  }
0x10: {  	[smem:$0x3FB6] =	sst s8  }
0x11: {  	[smem:$0x3FB7] =	sst s9;
	s0 =	simm.s32 @!p0 $0x0  }
0x12: {  	s1 =	sld [smem:$0x3F9D];
	s0 =	simm.s32 @p0 $0x1  }
0x13: {  	[smem:$0x3FB8] =	sst s0;
	s0 =	simm.s32 @!p1 $0x0  }
0x14: {  	s2 =	sld [smem:$0x3F9C];
	s0 =	simm.s32 @p1 $0x1  }
0x15: {  	[smem:$0x3FB9] =	sst s0;
	s0 =	simm.s32 @!p2 $0x0  }
0x16: {  	s3 =	sld [smem:$0x3FDB];
	s0 =	simm.s32 @p2 $0x1  }
0x17: {  	s4 =	simm.s32 $0x1BF5;
	[smem:$0x3FBB] =	sst s0  }
0x18: {  	s0 =	sld [smem:$0x3F9E];
	_ =	swait.ge [sflag:s4], $0x0  }
0x19: {  	s7 =	sld [smem:$0x3F9F]  }
0x1a: {  	s8 =	sadd.s32 $0xFFFFE003, lr  }
0x1b: {  	s9 =	sadd.s32 $0xFFFFFEF7, lr;
	s5 =	simm.s32 $0xFFFFFFFF;
	p2 =	slt.u32 s8, $0xFFFFF086  }
0x1c: {  	p1 =	slt.u32 s9, $0xF7A;
	s5 =	simm.s32 @!p2 $0x0  }
0x1d: {  	s5 =	simm.s32 @p1 $0x1;
	p0 =	seq.s32 s7, s2  }
0x1e: {  	s7 =	smul.u32 @!p0 $0xF7A, s2;
	p2 =	seq.s32 @!p0 s5, $0x0  }
0x1f: {  	s9 =	smul.u32 $0xF7A, s1;
	s8 =	simm.s32 @!p0 $0x1BF5;
	p2 =	por !p2, p0  }
0x20: {  	[sflag:s8] =	ssyncset.s32 @!p0 $0xFFFFF086;
	s6 =	sadd.s32 @!p0 s3, s7;
	s7 =	simm.s32 @!p0 $0x108  }
0x21: {  	s3 =	sadd.s32 s3, s9;
	s6 =	sadd.s32 @!p0 $0x88, s6;
	s7 =	simm.s32 @p2 $0x1082  }
0x22: {  	[simem:s7], [sflag:s8] =	dma.local @!p0 [hbm:s6], $0xF7A  }
0x23: {  	s9 =	sor.u32 $0xD0000000, s2;
	s6 =	simm.s32 $0x108;
	_ =	swait.ge @!p0 [sflag:s8], $0x0  }
0x24: {  	s3 =	sadd.s32 $0x88, s3;
	s6 =	simm.s32 @!p1 $0x1082;
	[sflag:s4] =	ssyncset.s32 $0xFFFFF086  }
0x25: {  	[simem:s6], [sflag:s4] =	dma.local [hbm:s3], $0xF7A  }
0x26: {  	[smem:$0x3F9F] =	sst s1;
	(tag) =	ssettag s2;
	_ =	strace s9  }
0x27: {  	s1 =	sld [smem:$0x3FAF]  }
0x28: {  	s2 =	sld [smem:$0x3FB0]  }
0x29: {  	s4 =	sld [smem:$0x3FB2]  }
0x2a: {  	p0 =	seq.s32 s5, $0x0;
	s5 =	sld [smem:$0x3FB3]  }
0x2b: {  	s6 =	sld [smem:$0x3FB4]  }
0x2c: {  	s7 =	sld [smem:$0x3FB5]  }
0x2d: {  	s3 =	simm.s32 $0x108;
	s8 =	sld [smem:$0x3FB6]  }
0x2e: {  	s3 =	simm.s32 @!p0 $0x1082;
	s9 =	sld [smem:$0x3FB7]  }
0x2f: {  	lr =	sadd.s32 s0, s3;
	s0 =	sld [smem:$0x3FAE]  }
0x30: {  	s3 =	sld [smem:$0x3FB1]  }
0x31: {  	[smem:$0x3FBA] =	sst s10  }
0x32: {  	s10 =	sld [smem:$0x3FB8];
	_ =	sdelay $0x3  }
0x33: {  	p0 =	seq.s32 s10, $0x1;
	s10 =	sld [smem:$0x3FBA];
	_ =	sdelay $0x3  }
0x34: {  	[smem:$0x3FBA] =	sst s10  }
0x35: {  	s10 =	sld [smem:$0x3FB9];
	_ =	sdelay $0x3  }
0x36: {  	p1 =	seq.s32 s10, $0x1;
	s10 =	sld [smem:$0x3FBA];
	_ =	sdelay $0x3  }
0x37: {  	[smem:$0x3FBA] =	sst s10  }
0x38: {  	s10 =	sld [smem:$0x3FBB]  }
0x39: {  	_ = 	snop;
	(pc) =	sbr.ind lr, $3  }
0x3a: {  	_ = 	snop  }
0x3b: {  	_ = 	snop  }
0x3c: {  	p2 =	seq.s32 s10, $0x1;
	s10 =	sld [smem:$0x3FBA]  }
0x3d: {  	_ =	shalt  }
0x3e: {  	_ =	shalt  }
0x3f: {  	_ =	shalt  }
0x40: {  	_ =	shalt  }
0x41: {  	_ =	shalt  }
0x42: {  	_ =	shalt  }
0x43: {  	_ =	shalt  }
0x44: {  	_ =	shalt  }
0x45: {  	_ =	shalt  }
0x46: {  	_ =	shalt  }
0x47: {  	_ =	shalt  }
0x48: {  	_ =	shalt  }
0x49: {  	_ =	shalt  }
0x4a: {  	_ =	shalt  }
0x4b: {  	_ =	shalt  }
0x4c: {  	_ =	shalt  }
0x4d: {  	_ =	shalt  }
0x4e: {  	_ =	shalt  }
0x4f: {  	_ =	shalt  }
0x50: {  	_ =	shalt  }
0x51: {  	_ =	shalt  }
0x52: {  	_ =	shalt  }
0x53: {  	_ =	shalt  }
0x54: {  	_ =	shalt  }
0x55: {  	_ =	shalt  }
0x56: {  	_ =	shalt  }
0x57: {  	_ =	shalt  }
0x58: {  	_ =	shalt  }
0x59: {  	_ =	shalt  }
0x5a: {  	_ =	shalt  }
0x5b: {  	_ =	shalt  }
0x5c: {  	_ =	shalt  }
0x5d: {  	_ =	shalt  }
0x5e: {  	_ =	shalt  }
0x5f: {  	_ =	shalt  }
0x60: {  	_ =	shalt  }
0x61: {  	_ =	shalt  }
0x62: {  	_ =	shalt  }
0x63: {  	_ =	shalt  }
0x64: {  	_ =	shalt  }
0x65: {  	_ =	shalt  }
0x66: {  	_ =	shalt  }
0x67: {  	_ =	shalt  }
0x68: {  	_ =	shalt  }
0x69: {  	_ =	shalt  }
0x6a: {  	_ =	shalt  }
0x6b: {  	_ =	shalt  }
0x6c: {  	_ =	shalt  }
0x6d: {  	_ =	shalt  }
0x6e: {  	_ =	shalt  }
0x6f: {  	_ =	shalt  }
0x70: {  	_ =	shalt  }
0x71: {  	_ =	shalt  }
0x72: {  	_ =	shalt  }
0x73: {  	_ =	shalt  }
0x74: {  	_ =	shalt  }
0x75: {  	_ =	shalt  }
0x76: {  	_ =	shalt  }
0x77: {  	_ =	shalt  }
0x78: {  	_ =	shalt  }
0x79: {  	_ =	shalt  }
0x7a: {  	_ =	shalt  }
0x7b: {  	_ =	shalt  }
0x7c: {  	_ =	shalt  }
0x7d: {  	_ =	shalt  }
0x7e: {  	_ =	shalt  }
0x7f: {  	_ =	shalt  }
0x80: {  	_ =	shalt  }
0x81: {  	_ =	shalt  }
0x82: {  	_ =	shalt  }
0x83: {  	_ =	shalt  }
0x84: {  	_ =	shalt  }
0x85: {  	_ =	shalt  }
0x86: {  	_ =	shalt  }
0x87: {  	_ =	shalt  }
.Lfunc_end0:
.L_simem_size_0:
called_computation.1_lowered:
.L_overlay_start_0:
0x88: {  	s2 =	sld [smem:$0x3FD9]  }
0x89: {  	s3 =	sld [smem:$0x3FFE];
	_ =	sdelay $0x1  }
0x8a: {  	s1 =	srdreg.scid  }
0x8b: {  	s0 =	sand.u32 $0x1, s1  }
0x8c: {  	s16 =	sshll.u32 s0, $0xA;
	s2 =	sadd.s32 s3, s2  }
0x8d: {  	s2 =	sadd.s32 s2, s16  }
0x8e: {  	[smem:$0x3FC6] =	sst s2  }
0x8f: {  	_ = 	snop  }
0x90: {  	s17 =	sld [smem:$0x3FD0];
	_ =	sdelay $0x2  }
0x91: {  	s5 =	simm.s32 $0xB;
	s4 =	simm.s32 $0x10;
	s2 =	sld [smem:$0x3FC8]  }
0x92: {  	[smem:s4], [sflag:s5] =	dma.local [hbm:s17], $0x1  }
0x93: {  	_ =	swait.eq [sflag:s5], $0x1  }
0x94: {  	[sflag:s5] =	ssyncset.done $0x0  }
0x95: {  	s18 =	sld [smem:$0x11];
	[sflag:s5] =	ssyncadd.s32 $0xFFFFFFFF  }
0x96: {  	s19 =	sld [smem:$0x14];
	(tm) =	ssettm $0x1  }
0x97: {  	s20 =	sld [smem:$0x3FFB];
	_ =	sdelay $0x3  }
0x98: {  	_ =	strace s20  }
0x99: {  	s3 =	sld [smem:$0x3FFC];
	_ =	sdelay $0x3  }
0x9a: {  	_ =	strace s3  }
0x9b: {  	s3 =	sld [smem:$0x3FFD];
	_ =	sdelay $0x3  }
0x9c: {  	_ =	strace s3  }
0x9d: {  	_ =	strace $0x8FFFFFFF  }
0x9e: {  	s21 =	sld [smem:$0x3FDB];
	_ =	sdelay $0x1  }
0x9f: {  	s6 =	simm.s32 $_scs_section_size  }
0xa0: {  	s7 =	simm.s32 $_size__tile_overlayer_lowered;
	s8 =	simm.s32 $_tile_overlayer_lowered  }
0xa1: {  	s9 =	simm.s32 $0x1BFF;
	s22 =	sshll.u32 s8, $0x1;
	s6 =	sadd.s32 s6, s21  }
0xa2: {  	s23 =	simm.s32 $0x0;
	s7 =	sshll.u32 s7, $0x1;
	s8 =	sadd.s32 s22, s6  }
0xa3: {  	[timem:s23], [sflag:s9] =	dma.local [hbm:s8], s7  }
0xa4: {  	_ =	swait.ge [sflag:s9], s7  }
0xa5: {  	s7 =	ssub.s32 $0x0, s7;
	[sflag:s9] =	ssyncset.done $0x0  }
0xa6: {  	[sflag:s9] =	ssyncadd.s32 s7;
	_ =	sdelay $0x1  }
0xa7: {  	s24 =	simm.s32 $0x1B8B  }
0xa8: {  	_ =	swait.ge [sflag:s24], $0x1  }
0xa9: {  	[sflag:s24] =	ssyncset.done $0x0  }
0xaa: {  	[sflag:s24] =	ssyncadd.s32 $0xFFFFFFFF  }
0xab: {  	s7 =	sld [smem:$0x0]  }
0xac: {  	s8 =	sand.u32 $0xFFFFFFFE, s1  }
0xad: {  	p0 =	sne.s32 s1, s8  }
0xae: {  	s8 =	sshll.u32 @p0 s8, $0xE  }
0xaf: {  	s8 =	sadd.s32 @p0 $0x11B8D, s8;
	s9 =	sshll.u32 @p0 s7, $0x11  }
0xb0: {  	s8 =	sor.u32 @p0 s9, s8  }
0xb1: {  	[sflag:s8] =	ssyncadd.remote.s32 @p0 $0x1;
	_ =	sdelay $0x1  }
0xb2: {  	s8 =	simm.s32 @p0 $0x1B8D  }
0xb3: {  	_ =	swait.eq @p0 [sflag:s8], $0x1  }
0xb4: {  	[sflag:s8] =	ssyncadd.s32 @p0 $0xFFFFFFFF  }
0xb5: {  	s9 =	sshll.u32 @!p0 s1, $0xE  }
0xb6: {  	s9 =	sor.u32 @!p0 $0x4000, s9;
	s8 =	simm.s32 @!p0 $0x1B8D  }
0xb7: {  	s7 =	sshll.u32 @!p0 s7, $0x11;
	s9 =	sadd.s32 @!p0 $0x11B8D, s9;
	_ =	swait.eq @!p0 [sflag:s8], $0x1  }
0xb8: {  	s7 =	sor.u32 @!p0 s7, s9;
	[sflag:s8] =	ssyncadd.s32 @!p0 $0xFFFFFFFF  }
0xb9: {  	s25 =	simm.s32 $0x1B8E;
	[sflag:s7] =	ssyncadd.remote.s32 @!p0 $0x1  }
0xba: {  	s26 =	simm.s32 $execute0_lowered;
	[smem:$0x3FD2] =	sst s25  }
0xbb: {  	s7 =	sshll.u32 s26, $0x1;
	_ =	strace $0x80000049;
	[dreg:$0x1] =	wrdreg $0xFFFFFFFF  }
0xbc: {  	s28 =	simm.s32 $_size_execute0_lowered;
	s6 =	sadd.s32 s6, s7;
	[dreg:$0x0] =	wrdreg $0x0  }
0xbd: {  	s7 =	sshll.u32 s28, $0x1;
	[dreg:$0x2] =	wrdreg s6  }
0xbe: {  	[dreg:$0x3] =	wrdreg s7  }
0xbf: {  	[dreg:$0x4] =	wrdreg $0xC0  }
0xc0: {  	_ =	task [dreg:s23], $0x5FFFF  }
0xc1: {  	[dreg:$0x1] =	wrdreg $0xFFFFFFFF  }
0xc2: {  	[dreg:$0x0] =	wrdreg $0x60  }
0xc3: {  	[dreg:$0x2] =	wrdreg s2  }
0xc4: {  	[dreg:$0x3] =	wrdreg s19  }
0xc5: {  	[dreg:$0x4] =	wrdreg s18  }
0xc6: {  	[dreg:$0x5] =	wrdreg $0xA  }
0xc7: {  	_ =	task.clear_ibuf [dreg:s23], $0x6FFFF;
	_ =	strace $0x90000049  }
0xc8: {  	s29 =	simm.s32 $0xA;
	_ =	strace $0x80000052  }
0xc9: {  	_ =	swait.ge [sflag:s29], $0x1  }
0xca: {  	[sflag:s29] =	ssyncadd.s32 $0xFFFFFFFF  }
0xcb: {  	_ =	strace $0x90000052  }
0xcc: {  	_ =	sfence  }
0xcd: {  	s30 =	sld [smem:$0x0];
	_ =	sdelay $0x2  }
0xce: {  	s31 =	sshll.u32 s1, $0xD;
	s1 =	sshrl.u32 s1, $0x2  }
0xcf: {  	s4 =	sand.u32 $0x4000, s31;
	s1 =	sadd.s32 s1, s30  }
0xd0: {  	s0 =	sor.u32 s4, s0;
	s1 =	sshll.u32 s1, $0x11  }
0xd1: {  	s0 =	sor.u32 s1, s0  }
0xd2: {  	s0 =	sadd.s32 $0x8F2B, s0  }
0xd3: {  	[sflag:s0] =	ssyncadd.remote.s32 $0x1  }
0xd4: {  	_ =	sfence.sel $0xFFFF  }
0xd5: {  	[dreg:$0x0] =	wrdreg $0xFFFFFFFF;
	(pc) =	sbr.abs _section_cstart, $3  }
0xd6: {  	[dreg:$0x1] =	wrdreg $0xFFFFFFFF  }
0xd7: {  	_ =	task.clear_ibuf [dreg:s23], $0x2FFFF;
	_ =	strace $0x9FFFFFFF  }
0xd8: {  	(tm) =	ssettm $0x7FFFFFFF  }
0xd9: {  	_ =	shalt  }
tec
execute0_lowered:
.L_overlay_start_1:
0x0: {  	(tag) =	ssettag $0x1  }
0x1: {  	s1 =	rddreg [dreg:$0x0]  }
0x2: {  	s2 =	rddreg [dreg:$0x1]  }
0x3: {  	s3 =	rddreg [dreg:$0x2]  }
0x4: {  	s4 =	srdreg.scid;
	s0 =	rddreg [dreg:$0x3]  }
0x5: {  	s5 =	simm.s32 $0x0;
	s9 =	simm.s32 $0x5;
	s10 =	simm.s32 $0x4  }
.Ltmp0:
0x6: {  	s11 =	simm.s32 $0x0;
	s6 =	sand.u32 $0x1, s4;
	(pc) =	sbr.rel .LBB2_1-.Ltmp0, $4  }
0x7: {  	s4 =	stileid.u32;
	s7 =	ssub.s32 $0x2, s6;
	s6 =	sshll.u32 s6, $0x4  }
0x8: {  	v2 =	vlaneseq.u32;
	[smem:$0x7FF] =	sst s5;
	s8 =	sshrl.u32 s7, $0x1;
	s6 =	sor.u32 s4, s6  }
0x9: {  	vm0 =	vmmov $0xffff;
	v1 =	vshrl.u32 v2, $0x3;
	_ =	strace $0x8000004A;
	s8 =	ssub.s32 s7, s8;
	s31 =	sshll.u32 s6, $0x5  }
0xa: {  	v0 =	vand.u32 $0x7, v2;
	v2 =	vor.u32 $0x8, v2;
	v1 =	vmul.u32 $0x8, v1;
	s6 =	sshll.u32 s6, $0x1;
	s7 =	sadd.s32 s2, s31;
	s8 =	smax.u32 s8, $0x1  }
.LBB2_4:
0xb: {  	s12 =	sand.u32 $0x1, s12  }
0xc: {  	_ =	strace $0x80000050;
	s12 =	sadd.s32 $0x3, s12  }
0xd: {  	_ =	swait.ge [sflag:s12], $0x8000  }
0xe: {  	[sflag:s12] =	ssyncset.done $0x0  }
0xf: {  	s11 =	sadd.s32 $0x1, s11;
	[sflag:s12] =	ssyncadd.s32 $0xFFFF8000  }
0x10: {  	p0 =	sne.s32 s11, s8;
	_ =	strace $0x90000050  }
.Ltmp1:
0x11: {  	_ =	strace $0x80000051;
	(pc) =	sbr.rel @!p0 .LBB2_5-.Ltmp1, $4  }
0x12: {  	_ =	swait.ge [sflag:s10], $0x8000  }
0x13: {  	[sflag:s10] =	ssyncset.done $0x0  }
0x14: {  	[sflag:s10] =	ssyncadd.s32 $0xFFFF8000  }
0x15: {  	_ =	strace $0x90000051  }
.LBB2_1:
0x16: {  	_ =	strace $0x8000004B  }
0x17: {  	p0 =	por $0x1, $0x1;
	p2 =	por $0x0, $0x0;
	s13 =	simm.s32 $0x0  }
0x18: {  	s12 =	simm.s32 $0x0;
	s17 =	simm.s32 $0x0;
	s14 =	simm.s32 $0x0  }
0x19: {  	[tilespmem:s5], [sflag:$0x1] =	stream.linear.gather [hbm4b:s7+s5], $0x80, $0x200038;
	[tilespmem:$0x10100] =	vst v63  }
0x1a: {  	s15 =	simm.s32 $0x1;
	s16 =	simm.s32 $0x0;
	_ =	strace $0x9000004B  }
.LBB2_2:
0x1b: {  	s18 =	smov.u32 s13;
	s13 =	sadd.s32 $0x1, s13  }
0x1c: {  	p1 =	seq.s32 s13, $0x2  }
0x1d: {  	s13 =	simm.s32 @p1 $0x0  }
0x1e: {  	p1 =	sne.s32 s18, s13  }
0x1f: {  	p1 =	por !p0, !p1  }
0x20: {  	p1 =	por !p1, !p1  }
0x21: {  	s19 =	sadd.s32 @p1 s6, s13  }
0x22: {  	s20 =	sand.u32 @p1 $0x1, s15;
	s19 =	sshll.u32 @p1 s19, $0x4  }
0x23: {  	_ =	strace @p1 $0x8000004C;
	s22 =	simm.s32 @p1 $0x0;
	s19 =	sand.u32 @p1 $0x1FFFFFF0, s19  }
0x24: {  	s21 =	sshll.u32 @p1 s20, $0x7;
	s20 =	sadd.s32 @p1 $0x1, s20;
	s19 =	sadd.s32 @p1 s2, s19  }
0x25: {  	[tilespmem:s21], [sflag:s20] =	stream.linear.gather @p1 [hbm4b:s19+s22], $0x80, $0x200038;
	[tilespmem:$0x10100] =	vst v63  }
0x26: {  	s23 =	sand.u32 $0x1, s14;
	_ =	strace @p1 $0x9000004C  }
0x27: {  	s19 =	sadd.s32 $0x1, s23;
	_ =	strace $0x8000004D  }
0x28: {  	_ =	swait.ge [sflag:s19], $0x80  }
0x29: {  	[sflag:s19] =	ssyncset.done $0x0  }
0x2a: {  	[sflag:s19] =	ssyncadd.s32 $0xFFFFFF80  }
0x2b: {  	s24 =	sshll.u32 s14, $0x7;
	_ =	strace $0x9000004D  }
0x2c: {  	s22 =	sand.u32 $0x80, s24;
	_ =	strace $0x8000004E  }
0x2d: {  	v3 =	vld [tilespmem:s22+$0x0];
	_ =	sdelay $0x4  }
0x2e: {  	v4 =	vshll.u32 v3, $0x1  }
0x2f: {  	v3 =	vand.u32 $0x7, v3;
	v4 =	vand.u32 $0xFFFFFFF0, v4  }
0x30: {  	v3 =	vor.u32 v3, v4  }
0x31: {  	v4 =	vperm.xlane v3, v0;
	_ =	sdelay $0x1  }
0x32: {  	v3 =	vperm.xlane v3, v2;
	v4 =	vadd.s32 v1, v4;
	_ =	sdelay $0x1  }
0x33: {  	s19 =	sand.u32 $0x1, s17;
	v3 =	vadd.s32 v1, v3  }
0x34: {  	s21 =	sshll.u32 s19, $0xF  }
0x35: {  	s20 =	sor.u32 $0x100, s21  }
0x36: {  	[tilespmem:s20], [sflag:$0x5] =	stream.indirect_vreg.gather [hbm4b:s1+s5], $0x80, v4, vm0, $0x2000b8;
	[tilespmem:$0x10100] =	vst v63  }
0x37: {  	s23 =	sor.u32 $0x900, s21  }
0x38: {  	[tilespmem:s23], [sflag:$0x5] =	stream.indirect_vreg.gather [hbm4b:s1+s5], $0x80, v3, vm0, $0x2000b8;
	[tilespmem:$0x10100] =	vst v63  }
0x39: {  	v3 =	vld [tilespmem:s22+$0x10];
	_ =	sdelay $0x4  }
0x3a: {  	v57 =	vshll.u32 v3, $0x1  }
0x3b: {  	v3 =	vand.u32 $0x7, v3;
	v4 =	vand.u32 $0xFFFFFFF0, v57  }
0x3c: {  	v3 =	vor.u32 v3, v4  }
0x3d: {  	v4 =	vperm.xlane v3, v0;
	_ =	sdelay $0x1  }
0x3e: {  	v3 =	vperm.xlane v3, v2;
	v4 =	vadd.s32 v1, v4;
	_ =	sdelay $0x1  }
0x3f: {  	v3 =	vadd.s32 v1, v3;
	_ =	sdelay $0x1  }
0x40: {  	s25 =	sor.u32 $0x1100, s21  }
0x41: {  	[tilespmem:s25], [sflag:$0x5] =	stream.indirect_vreg.gather [hbm4b:s1+s5], $0x80, v4, vm0, $0x2000b8;
	[tilespmem:$0x10100] =	vst v63  }
0x42: {  	s26 =	sor.u32 $0x1900, s21  }
0x43: {  	[tilespmem:s26], [sflag:$0x5] =	stream.indirect_vreg.gather [hbm4b:s1+s5], $0x80, v3, vm0, $0x2000b8;
	[tilespmem:$0x10100] =	vst v63  }
0x44: {  	v3 =	vld [tilespmem:s22+$0x20];
	_ =	sdelay $0x4  }
0x45: {  	v58 =	vshll.u32 v3, $0x1  }
0x46: {  	v3 =	vand.u32 $0x7, v3;
	v4 =	vand.u32 $0xFFFFFFF0, v58  }
0x47: {  	v3 =	vor.u32 v3, v4  }
0x48: {  	v4 =	vperm.xlane v3, v0;
	_ =	sdelay $0x1  }
0x49: {  	v3 =	vperm.xlane v3, v2;
	v4 =	vadd.s32 v1, v4;
	_ =	sdelay $0x1  }
0x4a: {  	v3 =	vadd.s32 v1, v3;
	_ =	sdelay $0x1  }
0x4b: {  	s28 =	sor.u32 $0x2100, s21  }
0x4c: {  	[tilespmem:s28], [sflag:$0x5] =	stream.indirect_vreg.gather [hbm4b:s1+s5], $0x80, v4, vm0, $0x2000b8;
	[tilespmem:$0x10100] =	vst v63  }
0x4d: {  	s29 =	sor.u32 $0x2900, s21  }
0x4e: {  	[tilespmem:s29], [sflag:$0x5] =	stream.indirect_vreg.gather [hbm4b:s1+s5], $0x80, v3, vm0, $0x2000b8;
	[tilespmem:$0x10100] =	vst v63  }
0x4f: {  	v3 =	vld [tilespmem:s22+$0x30];
	_ =	sdelay $0x4  }
0x50: {  	v59 =	vshll.u32 v3, $0x1  }
0x51: {  	v3 =	vand.u32 $0x7, v3;
	v4 =	vand.u32 $0xFFFFFFF0, v59  }
0x52: {  	v3 =	vor.u32 v3, v4  }
0x53: {  	v4 =	vperm.xlane v3, v0;
	_ =	sdelay $0x1  }
0x54: {  	v3 =	vperm.xlane v3, v2;
	v4 =	vadd.s32 v1, v4;
	_ =	sdelay $0x1  }
0x55: {  	v3 =	vadd.s32 v1, v3;
	_ =	sdelay $0x1  }
0x56: {  	s30 =	sor.u32 $0x3100, s21  }
0x57: {  	[tilespmem:s30], [sflag:$0x5] =	stream.indirect_vreg.gather [hbm4b:s1+s5], $0x80, v4, vm0, $0x2000b8;
	[tilespmem:$0x10100] =	vst v63  }
0x58: {  	s31 =	sor.u32 $0x3900, s21  }
0x59: {  	[tilespmem:s31], [sflag:$0x5] =	stream.indirect_vreg.gather [hbm4b:s1+s5], $0x80, v3, vm0, $0x2000b8;
	[tilespmem:$0x10100] =	vst v63  }
0x5a: {  	v3 =	vld [tilespmem:s22+$0x40];
	_ =	sdelay $0x4  }
0x5b: {  	v60 =	vshll.u32 v3, $0x1  }
0x5c: {  	v3 =	vand.u32 $0x7, v3;
	v4 =	vand.u32 $0xFFFFFFF0, v60  }
0x5d: {  	v3 =	vor.u32 v3, v4  }
0x5e: {  	v4 =	vperm.xlane v3, v0;
	_ =	sdelay $0x1  }
0x5f: {  	v3 =	vperm.xlane v3, v2;
	v4 =	vadd.s32 v1, v4;
	_ =	sdelay $0x1  }
0x60: {  	v3 =	vadd.s32 v1, v3;
	_ =	sdelay $0x1  }
0x61: {  	s24 =	sor.u32 $0x4100, s21  }
0x62: {  	[tilespmem:s24], [sflag:$0x5] =	stream.indirect_vreg.gather [hbm4b:s1+s5], $0x80, v4, vm0, $0x2000b8;
	[tilespmem:$0x10100] =	vst v63  }
0x63: {  	s25 =	sor.u32 $0x4900, s21  }
0x64: {  	[tilespmem:s25], [sflag:$0x5] =	stream.indirect_vreg.gather [hbm4b:s1+s5], $0x80, v3, vm0, $0x2000b8;
	[tilespmem:$0x10100] =	vst v63  }
0x65: {  	v3 =	vld [tilespmem:s22+$0x50];
	_ =	sdelay $0x4  }
0x66: {  	v61 =	vshll.u32 v3, $0x1  }
0x67: {  	v3 =	vand.u32 $0x7, v3;
	v4 =	vand.u32 $0xFFFFFFF0, v61  }
0x68: {  	v3 =	vor.u32 v3, v4  }
0x69: {  	v4 =	vperm.xlane v3, v0;
	_ =	sdelay $0x1  }
0x6a: {  	v3 =	vperm.xlane v3, v2;
	v4 =	vadd.s32 v1, v4;
	_ =	sdelay $0x1  }
0x6b: {  	v3 =	vadd.s32 v1, v3;
	_ =	sdelay $0x1  }
0x6c: {  	s26 =	sor.u32 $0x5100, s21  }
0x6d: {  	[tilespmem:s26], [sflag:$0x5] =	stream.indirect_vreg.gather [hbm4b:s1+s5], $0x80, v4, vm0, $0x2000b8;
	[tilespmem:$0x10100] =	vst v63  }
0x6e: {  	s28 =	sor.u32 $0x5900, s21  }
0x6f: {  	[tilespmem:s28], [sflag:$0x5] =	stream.indirect_vreg.gather [hbm4b:s1+s5], $0x80, v3, vm0, $0x2000b8;
	[tilespmem:$0x10100] =	vst v63  }
0x70: {  	v3 =	vld [tilespmem:s22+$0x60];
	_ =	sdelay $0x4  }
0x71: {  	v62 =	vshll.u32 v3, $0x1  }
0x72: {  	v3 =	vand.u32 $0x7, v3;
	v4 =	vand.u32 $0xFFFFFFF0, v62  }
0x73: {  	v3 =	vor.u32 v3, v4  }
0x74: {  	v4 =	vperm.xlane v3, v0;
	_ =	sdelay $0x1  }
0x75: {  	v3 =	vperm.xlane v3, v2;
	v4 =	vadd.s32 v1, v4;
	_ =	sdelay $0x1  }
0x76: {  	v3 =	vadd.s32 v1, v3;
	_ =	sdelay $0x1  }
0x77: {  	s29 =	sor.u32 $0x6100, s21  }
0x78: {  	[tilespmem:s29], [sflag:$0x5] =	stream.indirect_vreg.gather [hbm4b:s1+s5], $0x80, v4, vm0, $0x2000b8;
	[tilespmem:$0x10100] =	vst v63  }
0x79: {  	s30 =	sor.u32 $0x6900, s21  }
0x7a: {  	[tilespmem:s30], [sflag:$0x5] =	stream.indirect_vreg.gather [hbm4b:s1+s5], $0x80, v3, vm0, $0x2000b8;
	[tilespmem:$0x10100] =	vst v63  }
0x7b: {  	v3 =	vld [tilespmem:s22+$0x70];
	_ =	sdelay $0x4  }
0x7c: {  	v63 =	vshll.u32 v3, $0x1  }
0x7d: {  	v3 =	vand.u32 $0x7, v3;
	v4 =	vand.u32 $0xFFFFFFF0, v63  }
0x7e: {  	v3 =	vor.u32 v3, v4  }
0x7f: {  	v4 =	vperm.xlane v3, v0;
	_ =	sdelay $0x1  }
0x80: {  	v3 =	vperm.xlane v3, v2;
	v4 =	vadd.s32 v1, v4;
	_ =	sdelay $0x1  }
0x81: {  	v3 =	vadd.s32 v1, v3;
	_ =	sdelay $0x1  }
0x82: {  	p2 =	por !p2, !p2;
	p3 =	seq.s32 s18, s13;
	s31 =	sor.u32 $0x7100, s21  }
0x83: {  	[tilespmem:s31], [sflag:$0x5] =	stream.indirect_vreg.gather [hbm4b:s1+s5], $0x80, v4, vm0, $0x2000b8;
	[tilespmem:$0x10100] =	vst v63  }
0x84: {  	p2 =	por !p2, !p3;
	s21 =	sor.u32 $0x7900, s21  }
0x85: {  	[tilespmem:s21], [sflag:$0x5] =	stream.indirect_vreg.gather [hbm4b:s1+s5], $0x80, v3, vm0, $0x2000b8;
	[tilespmem:$0x10100] =	vst v63  }
0x86: {  	s18 =	sadd.s32 s6, s18;
	p2 =	por !p2, !p2;
	_ =	swait.ge [sflag:s9], $0x8000  }
0x87: {  	s18 =	sshll.u32 @!p2 s18, $0xC;
	p0 =	por p2, p0;
	[sflag:s9] =	ssyncset.done $0x0  }
.Ltmp2:
0x88: {  	s18 =	sand.u32 @!p2 $0x1FFFF000, s18;
	[sflag:s9] =	ssyncadd.s32 $0xFFFF8000;
	(pc) =	sbr.rel @!p0 .LBB2_4-.Ltmp2, $4  }
0x89: {  	s18 =	sadd.s32 @!p2 s3, s18;
	_ =	strace $0x9000004E  }
0x8a: {  	s19 =	sadd.s32 @!p2 $0x3, s19;
	s21 =	simm.s32 @!p2 $0x0;
	_ =	strace @!p2 $0x8000004F  }
0x8b: {  	[hbm4b:s18+s21] =	stream.linear.scatter @!p2 [tilespmem:s20], [sflag:s19], $0x8000, $0x200038;
	[tilespmem:$0x10100] =	vst v63  }
0x8c: {  	_ =	strace @!p2 $0x9000004F  }
.Ltmp3:
0x8d: {  	s18 =	simm.s32 $0x1;
	(pc) =	sbr.rel .LBB2_2-.Ltmp3, $4  }
0x8e: {  	s19 =	simm.s32 @!p2 $0x1;
	s12 =	sadd.s32 s16, s12;
	s18 =	simm.s32 @!p1 $0x0  }
0x8f: {  	s16 =	simm.s32 $0x1;
	s15 =	sadd.s32 s18, s15;
	s18 =	sadd.s32 @!p2 $0x1, s17  }
0x90: {  	p0 =	por $0x0, $0x0;
	s19 =	simm.s32 @p2 $0x0;
	s18 =	smov.u32 @p2 s17  }
0x91: {  	s14 =	sadd.s32 s14, s19;
	p2 =	por $0x1, $0x1;
	s17 =	smov.u32 s18  }
.LBB2_5:
0x92: {  	_ =	sfence.sel $0x180000  }
0x93: {  	[bflag:$0x0] =	sbarrier.arrive $0xFFFF  }
0x94: {  	p0 =	sne.s32 s4, $0x0;
	_ =	strace $0x9000004A  }
0x95: {  	s0 =	sadd.s32 @!p0 $0x100000, s0;
	[bflag:$0x2] =	sbarrier.arrive $0xFFFF  }
0x96: {  	[sflag:s0] =	ssyncadd.tile.s32 @!p0 $0x1;
	_ =	shalt  }
.Lfunc_end2:
_tile_overlayer_lowered:
.L_overlay_start_2:
0x97: {  	(tag) =	ssettag $0x2  }
0x98: {  	s0 =	rddreg [dreg:$0x0];
	s2 =	stileid.u32  }
0x99: {  	s1 =	rddreg [dreg:$0x1];
	p0 =	sne.s32 s2, $0x0  }
0x9a: {  	s3 =	rddreg [dreg:$0x2];
	[bflag:$0x3] =	sbarrier.arrive $0xFFFF;
	s2 =	simm.s32 @!p0 $0x1C01  }
0x9b: {  	[timem:s3], [sflag:s2] =	dma.local @!p0 [hbm:s0], s1  }
0x9c: {  	s0 =	simm.s32 @!p0 $0x1  }
0x9d: {  	_ =	swait.ge @!p0 [sflag:s0], s1  }
0x9e: {  	s1 =	ssub.s32 @!p0 $0x0, s1;
	[sflag:s0] =	ssyncset.done @!p0 $0x0  }
0x9f: {  	[sflag:s0] =	ssyncadd.s32 @!p0 s1  }
0xa0: {  	[bflag:$0x3] =	sbarrier.arrive $0xFFFF  }
0xa1: {  	_ =	shalt  }

// kernel: scatter_offload_async_start
scs
__scs_entry_jumppad:
0x0: {  	(pc) =	sbr.rel $0x88, $3  }
0x1: {  	(tag) =	ssettag $0x0;
	lr =	simm.s32 $0x1  }
0x2: {  	[smem:$0x3F9F] =	sst lr;
	_ =	strace $0xD0000000  }
0x3: {  	_ = 	snop  }
0x4: {  	_ = 	snop  }
0x5: {  	_ = 	snop  }
0x6: {  	_ = 	snop  }
0x7: {  	_ = 	snop  }
__scs_overlays_trampoline_lowered:
0x8: {  	[smem:$0x3FAE] =	sst s0  }
0x9: {  	[smem:$0x3FAF] =	sst s1  }
0xa: {  	[smem:$0x3FB0] =	sst s2  }
0xb: {  	[smem:$0x3FB1] =	sst s3  }
0xc: {  	[smem:$0x3FB2] =	sst s4  }
0xd: {  	[smem:$0x3FB3] =	sst s5  }
0xe: {  	[smem:$0x3FB4] =	sst s6  }
0xf: {  	[smem:$0x3FB5] =	sst s7  }
0x10: {  	[smem:$0x3FB6] =	sst s8  }
0x11: {  	[smem:$0x3FB7] =	sst s9;
	s0 =	simm.s32 @!p0 $0x0  }
0x12: {  	s1 =	sld [smem:$0x3F9D];
	s0 =	simm.s32 @p0 $0x1  }
0x13: {  	[smem:$0x3FB8] =	sst s0;
	s0 =	simm.s32 @!p1 $0x0  }
0x14: {  	s2 =	sld [smem:$0x3F9C];
	s0 =	simm.s32 @p1 $0x1  }
0x15: {  	[smem:$0x3FB9] =	sst s0;
	s0 =	simm.s32 @!p2 $0x0  }
0x16: {  	s3 =	sld [smem:$0x3FDB];
	s0 =	simm.s32 @p2 $0x1  }
0x17: {  	s4 =	simm.s32 $0x1BF5;
	[smem:$0x3FBB] =	sst s0  }
0x18: {  	s0 =	sld [smem:$0x3F9E];
	_ =	swait.ge [sflag:s4], $0x0  }
0x19: {  	s7 =	sld [smem:$0x3F9F]  }
0x1a: {  	s8 =	sadd.s32 $0xFFFFE003, lr  }
0x1b: {  	s9 =	sadd.s32 $0xFFFFFEF7, lr;
	s5 =	simm.s32 $0xFFFFFFFF;
	p2 =	slt.u32 s8, $0xFFFFF086  }
0x1c: {  	p1 =	slt.u32 s9, $0xF7A;
	s5 =	simm.s32 @!p2 $0x0  }
0x1d: {  	s5 =	simm.s32 @p1 $0x1;
	p0 =	seq.s32 s7, s2  }
0x1e: {  	s7 =	smul.u32 @!p0 $0xF7A, s2;
	p2 =	seq.s32 @!p0 s5, $0x0  }
0x1f: {  	s9 =	smul.u32 $0xF7A, s1;
	s8 =	simm.s32 @!p0 $0x1BF5;
	p2 =	por !p2, p0  }
0x20: {  	[sflag:s8] =	ssyncset.s32 @!p0 $0xFFFFF086;
	s6 =	sadd.s32 @!p0 s3, s7;
	s7 =	simm.s32 @!p0 $0x108  }
0x21: {  	s3 =	sadd.s32 s3, s9;
	s6 =	sadd.s32 @!p0 $0x88, s6;
	s7 =	simm.s32 @p2 $0x1082  }
0x22: {  	[simem:s7], [sflag:s8] =	dma.local @!p0 [hbm:s6], $0xF7A  }
0x23: {  	s9 =	sor.u32 $0xD0000000, s2;
	s6 =	simm.s32 $0x108;
	_ =	swait.ge @!p0 [sflag:s8], $0x0  }
0x24: {  	s3 =	sadd.s32 $0x88, s3;
	s6 =	simm.s32 @!p1 $0x1082;
	[sflag:s4] =	ssyncset.s32 $0xFFFFF086  }
0x25: {  	[simem:s6], [sflag:s4] =	dma.local [hbm:s3], $0xF7A  }
0x26: {  	[smem:$0x3F9F] =	sst s1;
	(tag) =	ssettag s2;
	_ =	strace s9  }
0x27: {  	s1 =	sld [smem:$0x3FAF]  }
0x28: {  	s2 =	sld [smem:$0x3FB0]  }
0x29: {  	s4 =	sld [smem:$0x3FB2]  }
0x2a: {  	p0 =	seq.s32 s5, $0x0;
	s5 =	sld [smem:$0x3FB3]  }
0x2b: {  	s6 =	sld [smem:$0x3FB4]  }
0x2c: {  	s7 =	sld [smem:$0x3FB5]  }
0x2d: {  	s3 =	simm.s32 $0x108;
	s8 =	sld [smem:$0x3FB6]  }
0x2e: {  	s3 =	simm.s32 @!p0 $0x1082;
	s9 =	sld [smem:$0x3FB7]  }
0x2f: {  	lr =	sadd.s32 s0, s3;
	s0 =	sld [smem:$0x3FAE]  }
0x30: {  	s3 =	sld [smem:$0x3FB1]  }
0x31: {  	[smem:$0x3FBA] =	sst s10  }
0x32: {  	s10 =	sld [smem:$0x3FB8];
	_ =	sdelay $0x3  }
0x33: {  	p0 =	seq.s32 s10, $0x1;
	s10 =	sld [smem:$0x3FBA];
	_ =	sdelay $0x3  }
0x34: {  	[smem:$0x3FBA] =	sst s10  }
0x35: {  	s10 =	sld [smem:$0x3FB9];
	_ =	sdelay $0x3  }
0x36: {  	p1 =	seq.s32 s10, $0x1;
	s10 =	sld [smem:$0x3FBA];
	_ =	sdelay $0x3  }
0x37: {  	[smem:$0x3FBA] =	sst s10  }
0x38: {  	s10 =	sld [smem:$0x3FBB]  }
0x39: {  	_ = 	snop;
	(pc) =	sbr.ind lr, $3  }
0x3a: {  	_ = 	snop  }
0x3b: {  	_ = 	snop  }
0x3c: {  	p2 =	seq.s32 s10, $0x1;
	s10 =	sld [smem:$0x3FBA]  }
0x3d: {  	_ =	shalt  }
0x3e: {  	_ =	shalt  }
0x3f: {  	_ =	shalt  }
0x40: {  	_ =	shalt  }
0x41: {  	_ =	shalt  }
0x42: {  	_ =	shalt  }
0x43: {  	_ =	shalt  }
0x44: {  	_ =	shalt  }
0x45: {  	_ =	shalt  }
0x46: {  	_ =	shalt  }
0x47: {  	_ =	shalt  }
0x48: {  	_ =	shalt  }
0x49: {  	_ =	shalt  }
0x4a: {  	_ =	shalt  }
0x4b: {  	_ =	shalt  }
0x4c: {  	_ =	shalt  }
0x4d: {  	_ =	shalt  }
0x4e: {  	_ =	shalt  }
0x4f: {  	_ =	shalt  }
0x50: {  	_ =	shalt  }
0x51: {  	_ =	shalt  }
0x52: {  	_ =	shalt  }
0x53: {  	_ =	shalt  }
0x54: {  	_ =	shalt  }
0x55: {  	_ =	shalt  }
0x56: {  	_ =	shalt  }
0x57: {  	_ =	shalt  }
0x58: {  	_ =	shalt  }
0x59: {  	_ =	shalt  }
0x5a: {  	_ =	shalt  }
0x5b: {  	_ =	shalt  }
0x5c: {  	_ =	shalt  }
0x5d: {  	_ =	shalt  }
0x5e: {  	_ =	shalt  }
0x5f: {  	_ =	shalt  }
0x60: {  	_ =	shalt  }
0x61: {  	_ =	shalt  }
0x62: {  	_ =	shalt  }
0x63: {  	_ =	shalt  }
0x64: {  	_ =	shalt  }
0x65: {  	_ =	shalt  }
0x66: {  	_ =	shalt  }
0x67: {  	_ =	shalt  }
0x68: {  	_ =	shalt  }
0x69: {  	_ =	shalt  }
0x6a: {  	_ =	shalt  }
0x6b: {  	_ =	shalt  }
0x6c: {  	_ =	shalt  }
0x6d: {  	_ =	shalt  }
0x6e: {  	_ =	shalt  }
0x6f: {  	_ =	shalt  }
0x70: {  	_ =	shalt  }
0x71: {  	_ =	shalt  }
0x72: {  	_ =	shalt  }
0x73: {  	_ =	shalt  }
0x74: {  	_ =	shalt  }
0x75: {  	_ =	shalt  }
0x76: {  	_ =	shalt  }
0x77: {  	_ =	shalt  }
0x78: {  	_ =	shalt  }
0x79: {  	_ =	shalt  }
0x7a: {  	_ =	shalt  }
0x7b: {  	_ =	shalt  }
0x7c: {  	_ =	shalt  }
0x7d: {  	_ =	shalt  }
0x7e: {  	_ =	shalt  }
0x7f: {  	_ =	shalt  }
0x80: {  	_ =	shalt  }
0x81: {  	_ =	shalt  }
0x82: {  	_ =	shalt  }
0x83: {  	_ =	shalt  }
0x84: {  	_ =	shalt  }
0x85: {  	_ =	shalt  }
0x86: {  	_ =	shalt  }
0x87: {  	_ =	shalt  }
.Lfunc_end0:
.L_simem_size_0:
called_computation_lowered:
.L_overlay_start_0:
0x88: {  	s0 =	sld [smem:$0x3FD9]  }
0x89: {  	s1 =	sld [smem:$0x3FFE];
	_ =	sdelay $0x3  }
0x8a: {  	s0 =	sadd.s32 s1, s0  }
0x8b: {  	[smem:$0x3FC6] =	sst s0  }
0x8c: {  	_ = 	snop  }
0x8d: {  	(tm) =	ssettm $0x1  }
0x8e: {  	s15 =	sld [smem:$0x3FFB];
	_ =	sdelay $0x3  }
0x8f: {  	_ =	strace s15  }
0x90: {  	s0 =	sld [smem:$0x3FFC];
	_ =	sdelay $0x3  }
0x91: {  	_ =	strace s0  }
0x92: {  	s0 =	sld [smem:$0x3FFD];
	_ =	sdelay $0x3  }
0x93: {  	_ =	strace s0  }
0x94: {  	_ =	strace $0x8FFFFFFF  }
0x95: {  	s16 =	sld [smem:$0x3FDB];
	_ =	sdelay $0x1  }
0x96: {  	s17 =	simm.s32 $_scs_section_size  }
0x97: {  	s2 =	simm.s32 $_size__tile_overlayer_lowered;
	s3 =	simm.s32 $_tile_overlayer_lowered  }
0x98: {  	s20 =	simm.s32 $0x1BFF;
	s19 =	sshll.u32 s3, $0x1;
	s0 =	sadd.s32 s17, s16  }
0x99: {  	s4 =	simm.s32 $0x0;
	s18 =	sshll.u32 s2, $0x1;
	s2 =	sadd.s32 s19, s0  }
0x9a: {  	[timem:s4], [sflag:s20] =	dma.local [hbm:s2], s18  }
0x9b: {  	_ =	swait.ge [sflag:s20], s18  }
0x9c: {  	s1 =	ssub.s32 $0x0, s18;
	[sflag:s20] =	ssyncset.done $0x0  }
0x9d: {  	[sflag:s20] =	ssyncadd.s32 s1;
	_ =	sdelay $0x1  }
0x9e: {  	s21 =	simm.s32 $0x1B8B  }
0x9f: {  	_ =	swait.ge [sflag:s21], $0x1  }
0xa0: {  	[sflag:s21] =	ssyncset.done $0x0  }
0xa1: {  	s23 =	simm.s32 $0x1B8E;
	s22 =	sld [smem:$0x3FFE];
	[sflag:s21] =	ssyncadd.s32 $0xFFFFFFFF  }
0xa2: {  	s24 =	simm.s32 $execute0_lowered;
	[smem:$0x3FD2] =	sst s23  }
0xa3: {  	s2 =	sshll.u32 s24, $0x1;
	_ =	strace $0x80000046;
	[dreg:$0x1] =	wrdreg $0xFFFFFFFF  }
0xa4: {  	s25 =	simm.s32 $_size_execute0_lowered;
	s0 =	sadd.s32 s0, s2;
	[dreg:$0x0] =	wrdreg $0x0  }
0xa5: {  	s2 =	sshll.u32 s25, $0x1;
	[dreg:$0x2] =	wrdreg s0  }
0xa6: {  	[dreg:$0x3] =	wrdreg s2  }
0xa7: {  	[dreg:$0x4] =	wrdreg $0xC0  }
0xa8: {  	_ =	task [dreg:s4], $0x5FFFF  }
0xa9: {  	[dreg:$0x1] =	wrdreg $0xFFFFFFFF  }
0xaa: {  	[dreg:$0x0] =	wrdreg $0x60  }
0xab: {  	[dreg:$0x2] =	wrdreg s22  }
0xac: {  	[dreg:$0x3] =	wrdreg $0x9  }
0xad: {  	_ =	task.clear_ibuf [dreg:s4], $0x4FFFF;
	_ =	strace $0x90000046  }
0xae: {  	s26 =	simm.s32 $0x9;
	_ =	strace $0x80000048  }
0xaf: {  	_ =	swait.ge [sflag:s26], $0x1  }
0xb0: {  	[sflag:s26] =	ssyncadd.s32 $0xFFFFFFFF  }
0xb1: {  	_ =	strace $0x90000048  }
0xb2: {  	_ =	sfence  }
0xb3: {  	s28 =	sld [smem:$0x0];
	_ =	sdelay $0x1  }
0xb4: {  	s29 =	srdreg.scid  }
0xb5: {  	s30 =	sshll.u32 s29, $0xD;
	s31 =	sshrl.u32 s29, $0x2  }
0xb6: {  	s1 =	sand.u32 $0x1, s29;
	s2 =	sand.u32 $0x4000, s30;
	s0 =	sadd.s32 s31, s28  }
0xb7: {  	s1 =	sor.u32 s2, s1;
	s0 =	sshll.u32 s0, $0x11  }
0xb8: {  	s0 =	sor.u32 s0, s1  }
0xb9: {  	s0 =	sadd.s32 $0x8F2B, s0  }
0xba: {  	[sflag:s0] =	ssyncadd.remote.s32 $0x1  }
0xbb: {  	_ =	sfence.sel $0xFFFF  }
0xbc: {  	[dreg:$0x0] =	wrdreg $0xFFFFFFFF;
	(pc) =	sbr.abs _section_cstart, $3  }
0xbd: {  	[dreg:$0x1] =	wrdreg $0xFFFFFFFF  }
0xbe: {  	_ =	task.clear_ibuf [dreg:s4], $0x2FFFF;
	_ =	strace $0x9FFFFFFF  }
0xbf: {  	(tm) =	ssettm $0x7FFFFFFF  }
tec
execute0_lowered:
.L_overlay_start_1:
0x0: {  	(tag) =	ssettag $0x1  }
0x1: {  	s3 =	rddreg [dreg:$0x0];
	_ =	strace $0x80000047;
	s4 =	simm.s32 $0x1  }
0x2: {  	v1 =	vimm.s32 $0xFFFFFFFF;
	[sflag:s4] =	ssyncpa.u1 $0x0  }
0x3: {  	[tilespmem:$0x10] =	vst v1  }
0x4: {  	v0 =	vimm.f32 $0.0e+00;
	[tilespmem:$0x20] =	vst v1  }
0x5: {  	[tilespmem:$0x30] =	vst v0  }
0x6: {  	s0 =	simm.s32 $0x2;
	s6 =	simm.s32 $0x7;
	[tilespmem:$0x40] =	vst v0  }
0x7: {  	s2 =	stileid.u32;
	s7 =	simm.s32 $0x8;
	s31 =	simm.s32 $0x9;
	[tilespmem:$0x50] =	vst v0  }
0x8: {  	s14 =	simm.s32 $0x0;
	s15 =	simm.s32 $0x100;
	s18 =	simm.s32 $0x10;
	[tilespmem:$0x60] =	vst v1  }
0x9: {  	s19 =	simm.s32 $0x1300;
	s20 =	simm.s32 $0xF;
	s21 =	simm.s32 $0x50;
	[tilespmem:$0x70] =	vst v1  }
0xa: {  	s22 =	simm.s32 $0x8FF;
	s23 =	simm.s32 $0x20;
	s24 =	simm.s32 $0x30;
	[tilespmem:$0x80] =	vst v1  }
0xb: {  	s25 =	simm.s32 $0x10FF;
	s26 =	simm.s32 $0x80;
	s30 =	simm.s32 $0x0;
	v1 =	vimm.s32 $0x0;
	[tilespmem:$0xB0] =	vst v0  }
.Ltmp0:
0xc: {  	s29 =	simm.s32 $0x0;
	s1 =	sadd.s32 $0x800, s3;
	[tilespmem:$0x90] =	vst v1;
	(pc) =	sbr.rel .LBB2_1-.Ltmp0, $4  }
0xd: {  	s5 =	sadd.s32 $0x400, s3;
	s8 =	sshll.u32 s2, $0x9;
	[tilespmem:$0xA0] =	vst v1;
	[sflag:s0] =	ssyncpa.u1 $0x0  }
0xe: {  	s10 =	sshll.u32 s2, $0x1;
	s12 =	sshllo.u32 s2, $0x1;
	[sflag:s6] =	ssyncpa.u1 $0x0  }
0xf: {  	vm0 =	vmmov $0xffff;
	v2 =	vlaneseq.u32;
	s9 =	sadd.s32 $0x200, s8;
	s11 =	sor.u32 $0x81, s10;
	[sflag:s7] =	ssyncpa.u1 $0x0  }
0x10: {  	vm1 =	vmxor vm1, vm1;
	vm2 =	vmmov $0x1;
	vm3 =	vcmask $0x3F3C;
	s13 =	sor.u32 $0x80, s10;
	s28 =	smov.u32 s8;
	[sflag:s31] =	ssyncpa.u1 $0x0  }
.LBB2_3:
0x11: {  	s0 =	sshrl.u32 s28, $0x3  }
0x12: {  	s2 =	sand.u32 $0x7, s28;
	s0 =	sadd.s32 s3, s0  }
0x13: {  	[tilespmem:s15], [sflag:$0x7] =	stream.linear.gather [hbm4b:s0+s2], $0x200, $0x38;
	[tilespmem:$0x1320] =	vst v63  }
.LBB2_4:
0x14: {  	s0 =	sadd.s32 $0x200, s28  }
0x15: {  	s2 =	smov.u32 s8;
	s29 =	sadd.s32 $0x1, s29;
	p0 =	slt.s32 s0, s9  }
0x16: {  	s2 =	smov.u32 @p0 s0;
	p0 =	sne.s32 s29, $0x4  }
.Ltmp1:
0x17: {  	_ = 	snop;
	(pc) =	sbr.rel @!p0 .LBB2_13-.Ltmp1, $2  }
0x18: {  	_ =	sdelay $0x2  }
0x19: {  	s30 =	smov.u32 s28;
	s28 =	smov.u32 s2  }
.LBB2_1:
0x1a: {  	p0 =	sgt.s32 s29, $0x1  }
.Ltmp2:
0x1b: {  	_ = 	snop;
	(pc) =	sbr.rel @p0 .LBB2_11-.Ltmp2, $1  }
0x1c: {  	_ =	sdelay $0x3  }
0x1d: {  	p0 =	seq.s32 s29, $0x0  }
.Ltmp3:
0x1e: {  	_ = 	snop;
	(pc) =	sbr.rel @p0 .LBB2_3-.Ltmp3, $1  }
0x1f: {  	_ =	sdelay $0x3  }
0x20: {  	_ =	swait.ge [sflag:s6], $0x200  }
0x21: {  	[sflag:s6] =	ssyncset.done $0x0  }
0x22: {  	[sflag:s6] =	ssyncadd.s32 $0xFFFFFE00;
	(ifvalue) =	ssetifvalue $0xFFFFFFFF;
	v3 =	vld.msk [tilespmem:s15+$0x0 ss:$0x1], $0xffff;
	_ =	sdelay $0x4  }
0x23: {  	v4 =	vperm.xlane v3, v1  }
0x24: {  	vm4 =	vlt.u32 v3, $0x2000  }
0x25: {  	v3 =	vnsel vm4, $0xFFFFFFFE, v3;
	vm4 =	vlt.u32 v4, $0x2000  }
0x26: {  	[tilespmem:$0x70] =	vst v3;
	v3 =	vnsel vm4, $0xFFFFFFFE, v4  }
0x27: {  	s17 =	simm.s32 $0x2F0;
	[tilespmem:$0x80] =	vst v3  }
0x28: {  	v3 =	vld.msk [tilespmem:s17+$0x0 ss:$0x1], $0xffff;
	_ =	sdelay $0x4  }
0x29: {  	(xrf1) =	vunique.msk.u32 $0xffff, v3;
	_ =	sdelay $0xd  }
0x2a: {  	v4 =	vimm.s32 $0xFFFFFFFF;
	v5, _, _ =	vpop (xrf1)  }
0x2b: {  	vm5 =	vne.s32 v3, v4;
	vm4 =	veq.s32 v5, v2  }
0x2c: {  	vm6 =	vlt.u32 v3, $0x2000;
	vm4 =	vmand vm5, vm4  }
0x2d: {  	vm4 =	vmand vm6, vm4  }
0x2e: {  	v4 =	vnsel vm4, $0xFFFFFFFF, v3;
	_ =	sdelay $0x3  }
0x2f: {  	s0 =	simm.s32 $0x8F0;
	(ifvalue) =	ssetifvalue $0xFFFFFFFF  }
0x30: {  	v3 =	vperm.xlane v3, v1;
	[tilespmem:s0], [sflag:$0x8] =	stream.indirect_vreg.gather [hbm4b:s1+s14], $0x1, v4, vm0, $0x4038;
	v4 =	vnsel vm6, $0xFFFFFFFE, v4;
	[tilespmem:$0x1320] =	vst v63  }
0x31: {  	s2 =	simm.s32 $0x0;
	s16 =	simm.s32 $0x2E0;
	[tilespmem:s17+$0x0] =	vst v4  }
.LBB2_6:
0x32: {  	v4 =	vld.msk [tilespmem:s16+$0x0 ss:$0x1], $0xffff;
	s2 =	sadd.s32 $0x10, s2;
	v5 =	vmov v3;
	s17 =	smov.u32 s16  }
0x33: {  	p0 =	slt.u32 s2, $0x1F0;
	_ =	sdelay $0x4  }
0x34: {  	v3 =	vperm.xlane v4, v1;
	(xrf1) =	vunique.msk.u32 $0xffff, v4;
	_ =	sdelay $0xd  }
0x35: {  	v6, _, _ =	vpop (xrf1)  }
0x36: {  	vm5 =	vne.s32 v4, v5;
	vm4 =	veq.s32 v6, v2  }
0x37: {  	vm6 =	vlt.u32 v4, $0x2000;
	vm4 =	vmand vm5, vm4  }
0x38: {  	vm4 =	vmand vm6, vm4  }
0x39: {  	v4 =	vnsel vm4, $0xFFFFFFFF, v4  }
.Ltmp4:
0x3a: {  	v5 =	vnsel vm6, $0xFFFFFFFE, v4;
	(pc) =	sbr.rel @p0 .LBB2_6-.Ltmp4, $3  }
0x3b: {  	_ =	sdelay $0x1  }
0x3c: {  	s16 =	sadd.s32 $0xFFFFFFF0, s16;
	s0 =	sadd.s32 $0xFFFFFFF0, s0;
	(ifvalue) =	ssetifvalue $0xFFFFFFFF  }
0x3d: {  	[tilespmem:s0], [sflag:$0x8] =	stream.indirect_vreg.gather [hbm4b:s1+s14], $0x1, v4, vm0, $0x4038;
	[tilespmem:s17+$0x0] =	vst v5  }
.Ltmp5:
0x3e: {  	(pc) =	sbr.rel .LBB2_4-.Ltmp5, $4  }
0x3f: {  	_ = 	snop  }
0x40: {  	s0 =	sshrl.u32 s30, $0x3  }
0x41: {  	s2 =	simm.s32 $0xB00;
	s0 =	sadd.s32 s5, s0  }
0x42: {  	[tilespmem:s2], [sflag:$0x8] =	stream.linear.gather [hbm:s0], $0x200, $0x38;
	[tilespmem:$0x1320] =	vst v63  }
.LBB2_11:
0x43: {  	p0 =	seq.s32 s29, $0x2  }
.Ltmp6:
0x44: {  	_ = 	snop;
	(pc) =	sbr.rel @!p0 .LBB2_12-.Ltmp6, $1  }
0x45: {  	_ =	sdelay $0x3  }
0x46: {  	_ =	swait.ge [sflag:s7], $0x400  }
0x47: {  	[sflag:s7] =	ssyncset.done $0x0  }
0x48: {  	s0 =	simm.s32 $0x2FF;
	[sflag:s7] =	ssyncadd.s32 $0xFFFFFC00  }
0x49: {  	[spmem:s11] =	stream.linear.scatter [tilespmem:s0], [sflag:$0x1], $0x1, $0x38;
	[tilespmem:$0x1320] =	vst v63  }
0x4a: {  	_ =	swait.ge [sflag:s4], $0x1  }
0x4b: {  	[sflag:s4] =	ssyncset.done $0x0  }
0x4c: {  	[sflag:s4] =	ssyncadd.s32 $0xFFFFFFFF  }
0x4d: {  	v4 =	vld [tilespmem:$0x10]  }
0x4e: {  	v5 =	vld [tilespmem:$0x70]  }
0x4f: {  	v3 =	vld [tilespmem:$0x80];
	_ =	sdelay $0x2  }
0x50: {  	(v2sf) =	vpush v4, $0x0  }
0x51: {  	(v2sf) =	vpush v5, $0x0  }
0x52: {  	(v2sf) =	vpush v3, $0x0;
	_ =	sdelay $0xc  }
0x53: {  	s16 =	spop (v2sf)  }
0x54: {  	s2 =	spop (v2sf)  }
0x55: {  	s30 =	spop (v2sf)  }
0x56: {  	p0 =	seq.s32 s16, s2;
	p1 =	seq.s32 s30, s16  }
0x57: {  	p1 =	por p0, p1  }
0x58: {  	v4 =	vpsel p1, $0xFFFFFFFF, v4  }
0x59: {  	[tilespmem:s18+$0x0] =	vst.msk $0x1, v4  }
0x5a: {  	v4 =	vld [tilespmem:$0x30]  }
0x5b: {  	v5 =	vld [tilespmem:$0xB00]  }
0x5c: {  	v6 =	vld [tilespmem:$0x40];
	_ =	sdelay $0x3  }
0x5d: {  	vm4 =	vmmov vm1;
	v5 =	vadd.f32 v5, v4  }
0x5e: {  	vm5 =	vmmov vm2;
	s31 =	simm.s32 $0xB00;
	vm4 =	vmmov @p0 vm2;
	v4 =	vadd.f32 v6, v4  }
0x5f: {  	vm5 =	vmmov @p1 vm1;
	[tilespmem:s31+$0x0] =	vst.msk vm4, v5  }
0x60: {  	[tilespmem:s19+$0x0] =	vst.msk vm5, v4  }
0x61: {  	v4 =	vld [tilespmem:$0x8F0];
	_ =	sdelay $0x3  }
0x62: {  	v5 =	vimm.f32 $0.0e+00  }
0x63: {  	v4 =	vshift.insert v4, v5, s20;
	_ =	sdelay $0x1  }
0x64: {  	[tilespmem:s21+$0x0] =	vst.msk $0x1, v4  }
0x65: {  	[tilespmem:s22+$0x0] =	vst.msk $0x1, v5  }
0x66: {  	v4 =	vld [tilespmem:$0x2F0];
	_ =	sdelay $0x4  }
0x67: {  	v4 =	vshift.insert v4, v1, s20;
	_ =	sdelay $0x1  }
0x68: {  	[tilespmem:s23+$0x0] =	vst.msk $0x1, v4  }
0x69: {  	s17 =	simm.s32 $0x100;
	v6 =	vld [tilespmem:s31+$0x0]  }
0x6a: {  	v7 =	vld [tilespmem:s17+$0x0];
	_ =	sdelay $0x3  }
0x6b: {  	v5 =	vadd.f32 v6, v5  }
0x6c: {  	vm4 =	vne.s32 v7, $0xFFFFFFFF  }
0x6d: {  	(xrf2) =	vadd.seg.scan.f32 vm4, v5;
	_ =	sdelay $0x3  }
0x6e: {  	s0 =	simm.s32 $0x700;
	v5 =	vperm.xlane v4, v1  }
0x6f: {  	v6 =	vld [tilespmem:s0+$0x0]  }
0x70: {  	vm5 =	veq.s32 v7, v3;
	vm6 =	veq.s32 v7, v5  }
0x71: {  	vm7 =	vgt.u32 v7, $0xFFFFFFFD;
	vm6 =	vmor vm6, vm5  }
0x72: {  	vm6 =	vmor vm6, vm7  }
0x73: {  	v9 =	vld [tilespmem:$0xA0];
	v7 =	vsel vm6, $0xFFFFFFFF, v7  }
0x74: {  	v10 =	vld [tilespmem:$0x90];
	v6 =	vsel vm5, $0x0, v6;
	v8, _, _ =	vpop (xrf2)  }
0x75: {  	v6 =	vadd.f32 v8, v6  }
0x76: {  	s2 =	simm.s32 $0xF00  }
0x77: {  	vm4 =	vmand vm4, vm3;
	[tilespmem:s2+$0x0] =	vst v6;
	(ifvalue) =	ssetifvalue $0xFFFFFFFF  }
0x78: {  	vm6 =	veq.s32 v9, $0x1;
	[hbm4b:s1+s14] =	stream.indirect_vreg.scatter [tilespmem:s2], [sflag:$0x2], $0x1, v7, vm0, $0x4038;
	v7 =	vsel vm4, $0x0, v8;
	[tilespmem:$0x1320] =	vst v63  }
0x79: {  	s16 =	simm.s32 $0x0;
	s17 =	simm.s32 $0x110;
	vm4 =	vmor vm6, vm5;
	v6 =	vsel vm5, v8, v10;
	v7 =	vshift.insert v7, v0, s20  }
.LBB2_9:
0x7a: {  	v8 =	vld [tilespmem:s17+$0x0];
	s31 =	sadd.s32 $0x10, s31  }
0x7b: {  	s0 =	sadd.s32 $0x10, s0;
	v9 =	vld [tilespmem:s31+$0x0]  }
0x7c: {  	s16 =	sadd.s32 $0x10, s16;
	v10 =	vld [tilespmem:s0+$0x0]  }
0x7d: {  	p0 =	slt.u32 s16, $0x1F0;
	_ =	sdelay $0x2  }
0x7e: {  	v7 =	vadd.f32 v9, v7  }
0x7f: {  	vm5 =	vne.s32 v8, $0xFFFFFFFF  }
0x80: {  	vm6 =	vmand vm5, vm3;
	(xrf2) =	vadd.seg.scan.f32 vm5, v7;
	_ =	sdelay $0x5  }
0x81: {  	vm7 =	veq.s32 v8, v5;
	vm5 =	veq.s32 v8, v3  }
0x82: {  	vm8 =	vgt.u32 v8, $0xFFFFFFFD;
	vm4 =	vmor vm4, vm5;
	vm7 =	vmor vm7, vm5  }
0x83: {  	vm7 =	vmor vm7, vm8  }
0x84: {  	v8 =	vsel vm7, $0xFFFFFFFF, v8  }
.Ltmp7:
0x85: {  	v7 =	vsel vm5, $0x0, v10;
	v9, _, _ =	vpop (xrf2);
	(pc) =	sbr.rel @p0 .LBB2_9-.Ltmp7, $4  }
0x86: {  	v6 =	vsel vm5, v9, v6;
	v10 =	vadd.f32 v9, v7;
	v7 =	vsel vm6, $0x0, v9  }
0x87: {  	s2 =	sadd.s32 $0x10, s2;
	v7 =	vshift.insert v7, v0, s20  }
0x88: {  	s17 =	sadd.s32 $0x10, s17;
	[tilespmem:s2+$0x0] =	vst v10;
	(ifvalue) =	ssetifvalue $0xFFFFFFFF  }
0x89: {  	[hbm4b:s1+s14] =	stream.indirect_vreg.scatter [tilespmem:s2], [sflag:$0x2], $0x1, v8, vm0, $0x4038;
	[tilespmem:$0x1320] =	vst v63  }
0x8a: {  	v3 =	vld [tilespmem:$0x10F0];
	_ =	sdelay $0x4  }
0x8b: {  	v3 =	vshift.insert v3, v0, s20;
	_ =	sdelay $0x1  }
0x8c: {  	[tilespmem:s24+$0x0] =	vst.msk $0x1, v3  }
0x8d: {  	v3 =	vsel vm4, $0x1, v1;
	[tilespmem:$0x90] =	vst v6  }
0x8e: {  	[tilespmem:$0xA0] =	vst v3  }
0x8f: {  	[spmem:s12] =	stream.linear.scatter [tilespmem:s25], [sflag:$0x1], $0x1, $0x38;
	[tilespmem:$0x1320] =	vst v63  }
0x90: {  	v3 =	vmctz.xlane vm4;
	_ =	swait.ge [sflag:s4], $0x1  }
0x91: {  	(v2sf) =	vpush v4, $0x0  }
0x92: {  	(v2sf) =	vpush v3, $0x0;
	_ =	sdelay $0xd  }
0x93: {  	s0 =	spop (v2sf)  }
0x94: {  	s2 =	spop (v2sf)  }
0x95: {  	[sflag:s4] =	ssyncset.done $0x0;
	p0 =	sne.s32 s30, s0;
	p1 =	slt.s32 s2, $0xF  }
0x96: {  	[sflag:s4] =	ssyncadd.s32 $0xFFFFFFFF;
	v3 =	vimm.s32 @!p0 $0xFFFFFFFF;
	s2 =	simm.s32 @!p1 $0xF  }
0x97: {  	[tilespmem:$0x80] =	vst @!p0 v3;
	s31 =	sadd.s32 $0x90, s2  }
0x98: {  	[spmem:s10] =	stream.linear.scatter [tilespmem:s31], [sflag:$0x1], $0x1, $0x38;
	[tilespmem:$0x1320] =	vst v63  }
0x99: {  	_ =	swait.ge [sflag:s4], $0x1  }
0x9a: {  	[sflag:s4] =	ssyncset.done $0x0  }
0x9b: {  	[sflag:s4] =	ssyncadd.s32 $0xFFFFFFFF  }
0x9c: {  	[spmem:s13] =	stream.linear.scatter [tilespmem:s26], [sflag:$0x1], $0x1, $0x38;
	[tilespmem:$0x1320] =	vst v63  }
0x9d: {  	_ =	swait.ge [sflag:s4], $0x1  }
0x9e: {  	[sflag:s4] =	ssyncset.done $0x0  }
0x9f: {  	[sflag:s4] =	ssyncadd.s32 $0xFFFFFFFF;
	(ifvalue) =	ssetifvalue $0xFFFFFFFF;
	v3 =	vld [tilespmem:$0x10];
	_ =	sdelay $0x3  }
.Ltmp8:
0xa0: {  	_ = 	snop;
	(pc) =	sbr.rel .LBB2_4-.Ltmp8, $3  }
0xa1: {  	_ =	sdelay $0x1  }
0xa2: {  	(ifvalue) =	ssetifvalue $0xFFFFFFFF  }
0xa3: {  	[hbm4b:s1+s14] =	stream.indirect_vreg.scatter [tilespmem:s19], [sflag:$0x9], $0x1, v3, vm0, $0x4038;
	[tilespmem:$0x1320] =	vst v63  }
.LBB2_12:
0xa4: {  	s0 =	simm.s32 $0x2  }
0xa5: {  	_ =	swait.ge [sflag:s0], $0x200  }
0xa6: {  	[sflag:s0] =	ssyncset.done $0x0  }
0xa7: {  	s31 =	simm.s32 $0x9;
	[sflag:s0] =	ssyncadd.s32 $0xFFFFFE00  }
0xa8: {  	_ =	swait.ge [sflag:s31], $0x10  }
0xa9: {  	[sflag:s31] =	ssyncset.done $0x0  }
0xaa: {  	[sflag:s31] =	ssyncadd.s32 $0xFFFFFFF0  }
.LBB2_13:
0xab: {  	_ =	sfence.sel $0x180000  }
0xac: {  	s0 =	simm.s32 $0x7;
	[bflag:$0x0] =	sbarrier.arrive $0xFFFF  }
0xad: {  	s26 =	simm.s32 $0x8;
	[sflag:s0] =	ssyncpa.u1 $0x1  }
0xae: {  	s28 =	simm.s32 $0x9;
	[sflag:s26] =	ssyncpa.u1 $0x1  }
0xaf: {  	[sflag:s28] =	ssyncpa.u1 $0x1  }
0xb0: {  	_ =	sfence.stream.spmem  }
0xb1: {  	s29 =	simm.s32 $0x3;
	[bflag:$0x0] =	sbarrier.arrive $0xFFFF  }
0xb2: {  	s30 =	simm.s32 $0x4;
	[sflag:s29] =	ssyncpa.u1 $0x1  }
0xb3: {  	s31 =	simm.s32 $0x3C;
	s2 =	stileid.u32;
	[sflag:s30] =	ssyncpa.u1 $0x1  }
0xb4: {  	p0 =	sne.s32 s2, $0x0;
	[sflag:s31] =	ssyncpa.u1 $0x1  }
0xb5: {  	s0 =	simm.s32 @p0 $0x1;
	_ =	sfence @p0  }
0xb6: {  	[sflag:s0] =	ssyncpa.u1 @p0 $0x1;
	s0 =	simm.s32 @p0 $0x2  }
0xb7: {  	[sflag:s0] =	ssyncpa.u1 @p0 $0x1  }
0xb8: {  	_ =	strace @p0 $0x90000047  }
0xb9: {  	[bflag:$0x2] =	sbarrier.arrive @p0 $0xFFFF  }
0xba: {  	_ =	shalt @p0  }
.LBB2_14:
0xbb: {  	_ =	sfence.stream.spmem;
	s0 =	simm.s32 $0x5  }
0xbc: {  	s2 =	simm.s32 $0x80;
	s3 =	simm.s32 $0xC0;
	[sflag:s0] =	ssyncpa.u1 $0x0  }
0xbd: {  	[tilespmem:s3], [sflag:$0x5] =	stream.linear.gather [spmem:s2], $0x20, $0x38;
	[tilespmem:$0x1320] =	vst v63  }
0xbe: {  	s2 =	simm.s32 $0x0;
	s3 =	simm.s32 $0xE0  }
0xbf: {  	[tilespmem:s3], [sflag:$0x5] =	stream.linear.gather [spmem:s2], $0x20, $0x38;
	[tilespmem:$0x1320] =	vst v63  }
.Ltmp9:
0xc0: {  	_ = 	snop;
	(pc) =	sbr.rel .LBB2_15-.Ltmp9, $4  }
0xc1: {  	_ =	swait.ge [sflag:s0], $0x40  }
0xc2: {  	[sflag:s0] =	ssyncset.done $0x0  }
0xc3: {  	s31 =	simm.s32 $0x6;
	[sflag:s0] =	ssyncadd.s32 $0xFFFFFFC0  }
0xc4: {  	s4 =	simm.s32 $0x0;
	[sflag:s31] =	ssyncpa.u1 $0x0  }
.LBB2_20:
0xc5: {  	p0 =	sgt.u32 s0, $0x1FFF  }
0xc6: {  	s5 =	sshrl.u32 @!p0 s0, $0x3  }
0xc7: {  	s0 =	sand.u32 @!p0 $0x7, s0;
	s6 =	simm.s32 @!p0 $0xB0;
	s5 =	sadd.s32 @!p0 s1, s5  }
0xc8: {  	[tilespmem:s6], [sflag:$0x6] =	stream.linear.gather @!p0 [hbm4b:s5+s0], $0x1, $0x38;
	[tilespmem:$0x1320] =	vst v63  }
0xc9: {  	s0 =	simm.s32 @!p0 $0x6  }
0xca: {  	_ =	swait.ge @!p0 [sflag:s0], $0x1  }
0xcb: {  	[sflag:s0] =	ssyncset.done @!p0 $0x0  }
0xcc: {  	[sflag:s0] =	ssyncadd.s32 @!p0 $0xFFFFFFFF  }
0xcd: {  	v2 =	vmov @!p0 s4;
	v1 =	vld.msk @!p0 [tilespmem:$0xB0], $0x1;
	_ =	sdelay $0x3  }
0xce: {  	s0 =	simm.s32 @!p0 $0xE0  }
0xcf: {  	[tilespmem:v2+s0+$0x0], v1 =	vst.idx.ret.add.f32.msk @!p0 $0x1, v1  }
0xd0: {  	[tilespmem:s2+$0xC0] =	vst.msk $0x1, v0  }
0xd1: {  	v0 =	vld.msk [tilespmem:s4+$0xE0], $0x1;
	_ =	sdelay $0x4  }
0xd2: {  	[tilespmem:s2+$0xE0] =	vst.msk $0x1, v0;
	s2 =	sadd.s32 $0x1, s2  }
.LBB2_22:
0xd3: {  	s4 =	sadd.s32 $0x1, s4  }
0xd4: {  	p0 =	sne.s32 s4, $0x20  }
.Ltmp10:
0xd5: {  	_ = 	snop;
	(pc) =	sbr.rel @!p0 .LBB2_23-.Ltmp10, $1  }
0xd6: {  	_ =	sdelay $0x3  }
.LBB2_15:
0xd7: {  	v0 =	vld.msk [tilespmem:s4+$0xC0], $0x1;
	_ =	sdelay $0x4  }
0xd8: {  	(v2sf) =	vpush v0, $0x0;
	_ =	sdelay $0xe  }
0xd9: {  	s0 =	spop (v2sf)  }
0xda: {  	p0 =	seq.s32 s0, $0xFFFFFFFF  }
.Ltmp11:
0xdb: {  	_ = 	snop;
	(pc) =	sbr.rel @p0 .LBB2_22-.Ltmp11, $1  }
0xdc: {  	_ =	sdelay $0x3  }
0xdd: {  	p0 =	slt.s32 s2, $0x1  }
.Ltmp12:
0xde: {  	_ = 	snop;
	(pc) =	sbr.rel @p0 .LBB2_20-.Ltmp12, $1  }
0xdf: {  	_ =	sdelay $0x3  }
0xe0: {  	s5 =	simm.s32 $0xC0;
	p0 =	por $0x0, $0x0  }
0xe1: {  	v1 =	vld.msk @!p0 [tilespmem:s5+$0x0], $0x1;
	_ =	sdelay $0x4  }
0xe2: {  	(v2sf) =	vpush @!p0 v1, $0x0;
	_ =	sdelay $0xd  }
0xe3: {  	p2 =	sne.s32 s2, $0x1  }
.Ltmp13:
0xe4: {  	s6 =	spop @!p0 (v2sf);
	(pc) =	sbr.rel @!p2 .LBB2_19-.Ltmp13, $4  }
0xe5: {  	p1 =	seq.s32 @!p0 s0, s6  }
0xe6: {  	s6 =	simm.s32 $0x0;
	p1 =	por !p1, p0  }
0xe7: {  	s8 =	simm.s32 $0xFFFFFFFF;
	s6 =	simm.s32 @p1 $0xFFFFFFFF  }
0xe8: {  	s7 =	simm.s32 $0x1;
	s6 =	smov.u32 @p0 s8  }
.LBB2_18:
0xe9: {  	s8 =	smov.u32 s6;
	p0 =	sne.s32 s6, $0xFFFFFFFF  }
0xea: {  	s5 =	sadd.s32 $0x1, s5;
	s6 =	smov.u32 s7;
	s7 =	sadd.s32 $0x1, s7  }
0xeb: {  	p1 =	sne.s32 s2, s7;
	v1 =	vld.msk @!p0 [tilespmem:s5+$0x0], $0x1;
	_ =	sdelay $0x4  }
0xec: {  	(v2sf) =	vpush @!p0 v1, $0x0;
	_ =	sdelay $0xe  }
.Ltmp14:
0xed: {  	s9 =	spop @!p0 (v2sf);
	(pc) =	sbr.rel @p1 .LBB2_18-.Ltmp14, $4  }
0xee: {  	p2 =	seq.s32 @!p0 s0, s9  }
0xef: {  	p2 =	por !p2, p0  }
0xf0: {  	s6 =	simm.s32 @p2 $0xFFFFFFFF  }
0xf1: {  	s6 =	smov.u32 @p0 s8  }
.LBB2_19:
0xf2: {  	p0 =	sne.s32 s6, $0xFFFFFFFF  }
.Ltmp15:
0xf3: {  	_ = 	snop;
	(pc) =	sbr.rel @!p0 .LBB2_20-.Ltmp15, $1  }
0xf4: {  	_ =	sdelay $0x3  }
0xf5: {  	v0 =	vld.msk [tilespmem:s4+$0xE0], $0x1;
	v1 =	vmov s6  }
.Ltmp16:
0xf6: {  	_ = 	snop;
	(pc) =	sbr.rel .LBB2_22-.Ltmp16, $2  }
0xf7: {  	_ =	sdelay $0x2  }
0xf8: {  	[tilespmem:v1+s3+$0x0], v0 =	vst.idx.ret.add.f32.msk $0x1, v0  }
.LBB2_23:
0xf9: {  	p0 =	slt.s32 s2, $0x1  }
.Ltmp17:
0xfa: {  	_ = 	snop;
	(pc) =	sbr.rel @p0 .LBB2_27-.Ltmp17, $3  }
0xfb: {  	_ =	sdelay $0x1  }
0xfc: {  	s0 =	simm.s32 $0x6  }
0xfd: {  	[sflag:s0] =	ssyncpa.u1 $0x1;
	s0 =	simm.s32 $0x0  }
0xfe: {  	s3 =	simm.s32 $0xC0  }
0xff: {  	v0 =	vld.msk [tilespmem:s3+$0x0], $0x1;
	_ =	sdelay $0x4  }
0x100: {  	(v2sf) =	vpush v0, $0x0;
	_ =	sdelay $0xe  }
0x101: {  	s2 =	sadd.s32 $0xFFFFFFFF, s2;
	s4 =	spop (v2sf)  }
0x102: {  	p1 =	sne.s32 s2, $0x0;
	p0 =	sgt.u32 s4, $0x1FFF  }
.Ltmp18:
0x103: {  	s5 =	sshrl.u32 @!p0 s4, $0x3;
	(pc) =	sbr.rel @!p1 .LBB2_26-.Ltmp18, $4  }
0x104: {  	s3 =	simm.s32 $0xE0;
	s4 =	sand.u32 @!p0 $0x7, s4;
	s5 =	sadd.s32 @!p0 s1, s5  }
0x105: {  	[hbm4b:s5+s4] =	stream.linear.scatter @!p0 [tilespmem:s3], [sflag:$0x5], $0x1, $0x38;
	[tilespmem:$0x1320] =	vst v63  }
0x106: {  	s5 =	simm.s32 $0x0  }
0x107: {  	s4 =	simm.s32 $0xC1;
	s5 =	simm.s32 @!p0 $0x4  }
.LBB2_25:
0x108: {  	v0 =	vld.msk [tilespmem:s4+$0x0], $0x1;
	s2 =	sadd.s32 $0xFFFFFFFF, s2;
	s0 =	sadd.s32 s0, s5  }
0x109: {  	p0 =	sne.s32 s2, $0x0;
	_ =	sdelay $0x3  }
0x10a: {  	(v2sf) =	vpush v0, $0x0;
	_ =	sdelay $0xe  }
.Ltmp19:
0x10b: {  	s6 =	spop (v2sf);
	(pc) =	sbr.rel @p0 .LBB2_25-.Ltmp19, $4  }
0x10c: {  	s5 =	simm.s32 $0x0;
	p1 =	sgt.u32 s6, $0x1FFF  }
0x10d: {  	s3 =	sadd.s32 $0x1, s3;
	s5 =	simm.s32 @!p1 $0x4;
	s7 =	sshrl.u32 @!p1 s6, $0x3  }
0x10e: {  	s4 =	sadd.s32 $0x1, s4;
	s6 =	sand.u32 @!p1 $0x7, s6;
	s7 =	sadd.s32 @!p1 s1, s7  }
0x10f: {  	[hbm4b:s7+s6] =	stream.linear.scatter @!p1 [tilespmem:s3], [sflag:$0x5], $0x1, $0x38;
	[tilespmem:$0x1320] =	vst v63  }
.LBB2_26:
0x110: {  	s0 =	sadd.s32 s0, s5  }
0x111: {  	s0 =	sshrl.u32 s0, $0x2  }
.LBB2_27:
0x112: {  	s1 =	simm.s32 $0x5  }
0x113: {  	_ =	swait.ge [sflag:s1], s0  }
0x114: {  	s28 =	ssub.s32 $0x0, s0;
	[sflag:s1] =	ssyncset.done $0x0  }
0x115: {  	[sflag:s1] =	ssyncadd.s32 s28  }
0x116: {  	[sflag:s1] =	ssyncpa.u1 $0x1  }
0x117: {  	s29 =	simm.s32 $0x1;
	_ =	sfence  }
0x118: {  	s30 =	simm.s32 $0x2;
	[sflag:s29] =	ssyncpa.u1 $0x1  }
0x119: {  	[sflag:s30] =	ssyncpa.u1 $0x1  }
0x11a: {  	_ =	strace $0x90000047  }
0x11b: {  	[bflag:$0x2] =	sbarrier.arrive $0xFFFF  }
0x11c: {  	s31 =	rddreg [dreg:$0x1]  }
0x11d: {  	s0 =	sadd.s32 $0x100000, s31  }
0x11e: {  	[sflag:s0] =	ssyncadd.tile.s32 $0x1;
	_ =	shalt  }
.Lfunc_end2:
_tile_overlayer_lowered:
.L_overlay_start_2:
0x11f: {  	(tag) =	ssettag $0x2  }
0x120: {  	s0 =	rddreg [dreg:$0x0];
	s2 =	stileid.u32  }
0x121: {  	s1 =	rddreg [dreg:$0x1];
	p0 =	sne.s32 s2, $0x0  }
0x122: {  	s3 =	rddreg [dreg:$0x2];
	[bflag:$0x3] =	sbarrier.arrive $0xFFFF;
	s2 =	simm.s32 @!p0 $0x1C01  }
0x123: {  	[timem:s3], [sflag:s2] =	dma.local @!p0 [hbm:s0], s1  }
0x124: {  	s0 =	simm.s32 @!p0 $0x1  }
0x125: {  	_ =	swait.ge @!p0 [sflag:s0], s1  }
0x126: {  	s1 =	ssub.s32 @!p0 $0x0, s1;
	[sflag:s0] =	ssyncset.done @!p0 $0x0  }
0x127: {  	[sflag:s0] =	ssyncadd.s32 @!p0 s1  }
0x128: {  	[bflag:$0x3] =	sbarrier.arrive $0xFFFF  }
0x129: {  	_ =	shalt  }

</sc_bundles>
